<compile_context>
chip_gen: v7x
topology: tpu7x:2x2x1
jax: 0.10.2.dev20260603
libtpu: 0.0.44.dev20260713+nightly
codegen_flags: <defaults>
</compile_context>

<pallas_src>
import jax
import jax.numpy as jnp
from jax import lax
from jax.experimental import pallas as pl
from jax.experimental.pallas import tpu as pltpu
from jax.experimental.pallas import tpu_sc as plsc

STRIDE_H = 4
STRIDE_W = 8
K_NN = 32

N_Q = 3600
N_B = 8
ROWS_PER_SUBCORE = N_B * N_Q // 32
SEG = 150
N_SEGS = ROWS_PER_SUBCORE // SEG
N_CHUNKS = N_Q // 16


def _sc_topk_kernel(d2m, kx, ky, kz, qx, qy, qz, out,
                    kxv, kyv, kzv, qxv, qyv, qzv, rbuf0, rbuf1, obuf, sem0, sem1):
    cid = lax.axis_index("c")
    sid = lax.axis_index("s")
    wid = sid * 2 + cid
    batch = wid // 4
    qbase = (wid % 4) * ROWS_PER_SUBCORE

    bsl = pl.ds(batch * N_Q, N_Q)
    pltpu.sync_copy(kx.at[bsl], kxv)
    pltpu.sync_copy(ky.at[bsl], kyv)
    pltpu.sync_copy(kz.at[bsl], kzv)
    pltpu.sync_copy(qx.at[bsl], qxv.at[pl.ds(0, N_Q)])
    pltpu.sync_copy(qy.at[bsl], qyv.at[pl.ds(0, N_Q)])
    pltpu.sync_copy(qz.at[bsl], qzv.at[pl.ds(0, N_Q)])

    iota16 = lax.iota(jnp.int32, 16)
    inf = jnp.float32(jnp.inf)

    def _process_row(r, seg, buf):
        row = qbase + seg * SEG + r
        qxs = qxv[pl.ds(row, 16)][0]
        qys = qyv[pl.ds(row, 16)][0]
        qzs = qzv[pl.ds(row, 16)][0]
        qbx = jnp.full((16,), qxs, jnp.float32)
        qby = jnp.full((16,), qys, jnp.float32)
        qbz = jnp.full((16,), qzs, jnp.float32)

        def _chunk_body(c, carry):
            t0k, t0i, t1k, t1i, thr = carry
            d2 = buf[pl.ds(c * 16, 16)]
            idxc = c * 16 + iota16

            sk, si = plsc.sort_key_val(d2, idxc)

            def _merge(args):
                t0k, t0i, t1k, t1i, _ = args
                rk = lax.rev(sk, (0,))
                ri = lax.rev(si, (0,))
                le = t1k <= rk
                n1 = jnp.where(le, t1k, rk)
                n1i = jnp.where(le, t1i, ri)
                le0 = t0k <= n1
                m0 = jnp.where(le0, t0k, n1)
                m0i = jnp.where(le0, t0i, n1i)
                m1 = jnp.where(le0, n1, t0k)
                m1i = jnp.where(le0, n1i, t0i)
                a0k, a0i = plsc.sort_key_val(m0, m0i)
                a1k, a1i = plsc.sort_key_val(m1, m1i)
                return a0k, a0i, a1k, a1i, a1k[15]

            hit = sk[0] < thr
            return lax.cond(hit, _merge, lambda a: a,
                            (t0k, t0i, t1k, t1i, thr))

        init = (jnp.full((16,), inf, jnp.float32), jnp.zeros((16,), jnp.int32),
                jnp.full((16,), inf, jnp.float32), jnp.zeros((16,), jnp.int32),
                inf)
        t0k, t0i, t1k, t1i, _ = lax.fori_loop(0, N_CHUNKS, _chunk_body, init)

        p0x = plsc.load_gather(kxv, [t0i])
        p0y = plsc.load_gather(kyv, [t0i])
        p0z = plsc.load_gather(kzv, [t0i])
        p1x = plsc.load_gather(kxv, [t1i])
        p1y = plsc.load_gather(kyv, [t1i])
        p1z = plsc.load_gather(kzv, [t1i])

        off0 = r * 256 + iota16 * 8
        off1 = off0 + 128

        def put(base, col, vals):
            plsc.store_scatter(obuf, [base + col], vals)

        put(off0, 0, p0x - qbx)
        put(off0, 1, p0y - qby)
        put(off0, 2, p0z - qbz)
        put(off0, 3, p0x)
        put(off0, 4, p0y)
        put(off0, 5, p0z)
        put(off1, 0, p1x - qbx)
        put(off1, 1, p1y - qby)
        put(off1, 2, p1z - qbz)
        put(off1, 3, p1x)
        put(off1, 4, p1y)
        put(off1, 5, p1z)
        zeros = jnp.zeros((16,), jnp.float32)
        put(off0, 6, zeros)
        put(off0, 7, zeros)
        put(off1, 6, zeros)
        put(off1, 7, zeros)

    def _seg_body(seg, carry):
        g0 = wid * ROWS_PER_SUBCORE + seg * SEG

        def rsl(r):
            return pl.ds((g0 + r) * N_Q, N_Q)

        pltpu.async_copy(d2m.at[rsl(0)], rbuf0, sem0)
        pltpu.async_copy(d2m.at[rsl(1)], rbuf1, sem1)

        def _pair_body(i, carry2):
            r0 = 2 * i
            r1 = 2 * i + 1
            pltpu.make_async_copy(d2m.at[rsl(r0)], rbuf0, sem0).wait()
            _process_row(r0, seg, rbuf0)
            pltpu.async_copy(d2m.at[rsl(jnp.minimum(r0 + 2, SEG - 2))],
                             rbuf0, sem0)
            pltpu.make_async_copy(d2m.at[rsl(r1)], rbuf1, sem1).wait()
            _process_row(r1, seg, rbuf1)
            pltpu.async_copy(d2m.at[rsl(jnp.minimum(r1 + 2, SEG - 1))],
                             rbuf1, sem1)
            return carry2

        lax.fori_loop(0, SEG // 2, _pair_body, 0)
        pltpu.make_async_copy(d2m.at[rsl(SEG - 2)], rbuf0, sem0).wait()
        pltpu.make_async_copy(d2m.at[rsl(SEG - 1)], rbuf1, sem1).wait()
        off = g0 * 256
        pltpu.sync_copy(obuf, out.at[pl.ds(off, SEG * 256)])
        return carry

    lax.fori_loop(0, N_SEGS, _seg_body, 0)


def _d2_body(q_ref, k_ref, o_ref):
    qb = q_ref[0]
    kb = k_ref[0]
    qq = jnp.sum(qb * qb, axis=-1, keepdims=True)
    kk = jnp.sum(kb * kb, axis=-1)[None, :]
    o_ref[0] = qq - 2.0 * jnp.dot(qb, kb.T,
                                  preferred_element_type=jnp.float32) + kk


def _mlp_body(f_ref, w1_ref, w2_ref, o_ref):
    f = f_ref[...]
    w1 = w1_ref[...]
    w2 = w2_ref[...]
    out = jnp.full((f.shape[0], 64), -jnp.inf, dtype=jnp.float32)
    for j in range(K_NN):
        fj = f[:, j * 8:(j + 1) * 8]
        h = jnp.maximum(jnp.dot(fj, w1,
                                preferred_element_type=jnp.float32), 0.0)
        h = jnp.maximum(jnp.dot(h, w2,
                                preferred_element_type=jnp.float32), 0.0)
        out = jnp.maximum(out, h)
    o_ref[...] = out


def kernel(xyz_f1, xyz_f2, W1, W2):
    B = xyz_f1.shape[0]
    q = xyz_f1[:, ::STRIDE_H, ::STRIDE_W, :].reshape(B, -1, 3)
    k = xyz_f2[:, ::STRIDE_H, ::STRIDE_W, :].reshape(B, -1, 3)
    n = q.shape[1]

    qx, qy, qz = [q[..., i].reshape(-1) for i in range(3)]
    kx, ky, kz = [k[..., i].reshape(-1) for i in range(3)]

    bq = 720
    d2m = pl.pallas_call(
        _d2_body,
        grid=(B, n // bq),
        in_specs=[
            pl.BlockSpec((1, bq, 3), lambda b, i: (b, i, 0)),
            pl.BlockSpec((1, n, 3), lambda b, i: (b, 0, 0)),
        ],
        out_specs=pl.BlockSpec((1, bq, n), lambda b, i: (b, i, 0)),
        out_shape=jax.ShapeDtypeStruct((B, n, n), jnp.float32),
    )(q, k).reshape(-1)

    mesh = plsc.VectorSubcoreMesh(core_axis_name="c", subcore_axis_name="s")
    sc_fn = pl.kernel(
        _sc_topk_kernel, mesh=mesh,
        compiler_params=pltpu.CompilerParams(needs_layout_passes=False),
        out_type=jax.ShapeDtypeStruct((B * n * K_NN * 8,), jnp.float32),
        scratch_types=[
            pltpu.VMEM((n,), jnp.float32),
            pltpu.VMEM((n,), jnp.float32),
            pltpu.VMEM((n,), jnp.float32),
            pltpu.VMEM((n + 16,), jnp.float32),
            pltpu.VMEM((n + 16,), jnp.float32),
            pltpu.VMEM((n + 16,), jnp.float32),
            pltpu.VMEM((n,), jnp.float32),
            pltpu.VMEM((n,), jnp.float32),
            pltpu.VMEM((SEG * K_NN * 8,), jnp.float32),
            pltpu.SemaphoreType.DMA,
            pltpu.SemaphoreType.DMA,
        ],
    )
    feat = sc_fn(d2m, kx, ky, kz, qx, qy, qz).reshape(B * n, K_NN * 8)

    w1p = jnp.concatenate(
        [W1, jnp.zeros((2, W1.shape[1]), W1.dtype)], axis=0)

    tbq = 960
    grid = (B * n // tbq,)
    out = pl.pallas_call(
        _mlp_body,
        grid=grid,
        in_specs=[
            pl.BlockSpec((tbq, K_NN * 8), lambda i: (i, 0)),
            pl.BlockSpec((8, 128), lambda i: (0, 0)),
            pl.BlockSpec((128, 64), lambda i: (0, 0)),
        ],
        out_specs=pl.BlockSpec((tbq, 64), lambda i: (i, 0)),
        out_shape=jax.ShapeDtypeStruct((B * n, 64), jnp.float32),
    )(feat, w1p, W2)
    return out.reshape(B, n, 64)

# --- scband reference (transcript-rebuilt; emitter-appended) ---
"""Pipeline reference for scband-pwc-model-46574625358248 (READ-ONLY COPY).

The authoritative reference and input builder live on the scoring server;
editing this copy changes nothing except your own understanding.
"""

import jax, jax.numpy as jnp
import numpy as np

# pwc_model (PWCLO-Net / EfficientLO-Net style). The torch source is truncated; the
# computational core exercised here is the retrieval_knn kernel inside its
# cost_volume modules: strided downsampling of two organized point clouds,
# KNN search (nsample_q=32, knn=True) from frame-1 query points into frame-2
# key points, neighbor gather, concat-style correlation features, shared MLP,
# and max-pooling over neighbors (pooling='max').

STRIDE_H = 4   # stride_H_list[0]
STRIDE_W = 8   # stride_W_list[0]
K_NN = 32      # nsample_q of cost_volume1


def _downsample(x):
    # strided point selection, matching get_selected_idx with stride (4, 8)
    B = x.shape[0]
    return x[:, ::STRIDE_H, ::STRIDE_W, :].reshape(B, -1, 3)


def setup_inputs(seed: int = 0) -> dict:
    key = jax.random.key(seed)
    k1, k2, k3, k4 = jax.random.split(key, 4)
    B, H, W = 8, 64, 1800
    xyz_f1 = jax.random.normal(k1, (B, H, W, 3), dtype=jnp.float32) * 20.0
    xyz_f2 = jax.random.normal(k2, (B, H, W, 3), dtype=jnp.float32) * 20.0
    # learned parameters of the cost-volume shared MLP (mlp1 head, in=2*3 geom feats)
    W1 = jax.random.normal(k3, (6, 128), dtype=jnp.float32) * 0.1
    W2 = jax.random.normal(k4, (128, 64), dtype=jnp.float32) * 0.1
    return {"xyz_f1": xyz_f1, "xyz_f2": xyz_f2, "W1": W1, "W2": W2}


def reference(xyz_f1, xyz_f2, W1, W2):
    q = _downsample(xyz_f1)      # (B, N, 3) query points, N = 16*225 = 3600
    kpts = _downsample(xyz_f2)   # (B, N, 3) key points
    B, N, _ = q.shape
    outs = []
    for b in range(B):
        qb, kb = q[b], kpts[b]
        # squared euclidean distance matrix (N_q, N_k)
        d2 = (jnp.sum(qb * qb, axis=-1, keepdims=True)
              - 2.0 * (qb @ kb.T)
              + jnp.sum(kb * kb, axis=-1)[None, :])
        # KNN retrieval: indices of K nearest keys per query
        _, idx = jax.lax.top_k(-d2, K_NN)          # (N, K)
        grouped = jnp.take(kb, idx, axis=0)        # gather -> (N, K, 3)
        rel = grouped - qb[:, None, :]             # relative coords
        feat = jnp.concatenate([rel, grouped], axis=-1)  # concat corr_func (N, K, 6)
        h = jax.nn.relu(feat @ W1)
        h = jax.nn.relu(h @ W2)
        outs.append(jnp.max(h, axis=1))            # max pooling over neighbors
    return jnp.stack(outs, axis=0)                 # (B, N, 64)

if __name__ == "__main__":
    import jax
    _d = setup_inputs()
    print(jax.jit(kernel)(*tuple(_d.values())))

</pallas_src>

<mosaic_0001>
#map = affine_map<(d0, d1) -> (0)>
module attributes {stable_mosaic.version = 14 : i64} {
  func.func @_sc_topk_kernel(%arg0: i32, %arg1: i32, %arg2: memref<103680000xf32, #tpu.memory_space<hbm>>, %arg3: memref<28800xf32, #tpu.memory_space<hbm>>, %arg4: memref<28800xf32, #tpu.memory_space<hbm>>, %arg5: memref<28800xf32, #tpu.memory_space<hbm>>, %arg6: memref<28800xf32, #tpu.memory_space<hbm>>, %arg7: memref<28800xf32, #tpu.memory_space<hbm>>, %arg8: memref<28800xf32, #tpu.memory_space<hbm>>, %arg9: memref<7372800xf32, #tpu.memory_space<hbm>>, %arg10: memref<3600xf32, #tpu.memory_space<vmem>>, %arg11: memref<3600xf32, #tpu.memory_space<vmem>>, %arg12: memref<3600xf32, #tpu.memory_space<vmem>>, %arg13: memref<3616xf32, #tpu.memory_space<vmem>>, %arg14: memref<3616xf32, #tpu.memory_space<vmem>>, %arg15: memref<3616xf32, #tpu.memory_space<vmem>>, %arg16: memref<3600xf32, #tpu.memory_space<vmem>>, %arg17: memref<3600xf32, #tpu.memory_space<vmem>>, %arg18: memref<38400xf32, #tpu.memory_space<vmem>>, %arg19: memref<!tpu.dma_semaphore, #tpu.memory_space<semaphore_mem>>, %arg20: memref<!tpu.dma_semaphore, #tpu.memory_space<semaphore_mem>>) attributes {dimension_semantics = [#tpu.dimension_semantics<core_parallel>, #tpu.dimension_semantics<subcore_parallel>], iteration_bounds = array<i64: 2, 16>, scalar_prefetch = 0 : i64, scratch_operands = 11 : i64, tpu.core_type = #tpu.core_type<sc_vector_subcore>, window_params = [{transform_indices = #map}, {transform_indices = #map}, {transform_indices = #map}, {transform_indices = #map}, {transform_indices = #map}, {transform_indices = #map}, {transform_indices = #map}, {transform_indices = #map}]} {
    %mul3A = arith.constant 2 : i32
    %mul3A_0 = arith.muli %arg1, %mul3A : i32
    %add3A = arith.addi %mul3A_0, %arg0 : i32
    %jit3A = arith.constant 4 : i32
    %div3A = arith.divsi %add3A, %jit3A : i32
    %sign3A = arith.constant 0 : i32
    %sign3A_1 = arith.cmpi sgt, %add3A, %sign3A : i32
    %sign3A_2 = arith.extui %sign3A_1 : i1 to i32
    %sign3A_3 = arith.constant 0 : i32
    %sign3A_4 = arith.cmpi slt, %add3A, %sign3A_3 : i32
    %sign3A_5 = arith.extui %sign3A_4 : i1 to i32
    %sign3A_6 = arith.subi %sign3A_2, %sign3A_5 : i32
    %sign3A_7 = arith.constant 0 : i32
    %sign3A_8 = arith.cmpi sgt, %jit3A, %sign3A_7 : i32
    %sign3A_9 = arith.extui %sign3A_8 : i1 to i32
    %sign3A_10 = arith.constant 0 : i32
    %sign3A_11 = arith.cmpi slt, %jit3A, %sign3A_10 : i32
    %sign3A_12 = arith.extui %sign3A_11 : i1 to i32
    %sign3A_13 = arith.subi %sign3A_9, %sign3A_12 : i32
    %ne3A = arith.cmpi ne, %sign3A_6, %sign3A_13 : i32
    %rem3A = arith.remsi %add3A, %jit3A : i32
    %ne3A_14 = arith.constant 0 : i32
    %ne3A_15 = arith.cmpi ne, %rem3A, %ne3A_14 : i32
    %and3A = arith.andi %ne3A, %ne3A_15 : i1
    %sub3A = arith.constant 1 : i32
    %sub3A_16 = arith.subi %div3A, %sub3A : i32
    %select_n3A = arith.select %and3A, %sub3A_16, %div3A : i32
    %jit3A_17 = arith.constant 4 : i32
    %eq3A = arith.constant 0 : i32
    %eq3A_18 = arith.cmpi eq, %jit3A_17, %eq3A : i32
    %jit3A_19 = arith.constant 1 : i32
    %select_n3A_20 = arith.select %eq3A_18, %jit3A_19, %jit3A_17 : i32
    %rem3A_21 = arith.remsi %add3A, %select_n3A_20 : i32
    %ne3A_22 = arith.constant 0 : i32
    %ne3A_23 = arith.cmpi ne, %rem3A_21, %ne3A_22 : i32
    %lt3A = arith.constant 0 : i32
    %lt3A_24 = arith.cmpi slt, %rem3A_21, %lt3A : i32
    %lt3A_25 = arith.constant 0 : i32
    %lt3A_26 = arith.cmpi slt, %select_n3A_20, %lt3A_25 : i32
    %ne3A_27 = arith.xori %lt3A_24, %lt3A_26 : i1
    %and3A_28 = arith.andi %ne3A_27, %ne3A_23 : i1
    %add3A_29 = arith.addi %rem3A_21, %select_n3A_20 : i32
    %select_n3A_30 = arith.select %and3A_28, %add3A_29, %rem3A_21 : i32
    %mul3A_31 = arith.constant 900 : i32
    %mul3A_32 = arith.muli %select_n3A_30, %mul3A_31 : i32
    %mul3A_33 = arith.constant 3600 : i32
    %mul3A_34 = arith.muli %select_n3A, %mul3A_33 : i32
    "tpu.region"() ({
      %run_scoped3A = tpu.sem_alloc : memref<!tpu.dma_semaphore, #tpu.memory_space<semaphore_mem>>
      %dma_start3A = tpu.memref_slice %arg3[%mul3A_34] : memref<28800xf32, #tpu.memory_space<hbm>> -> memref<3600xf32, #tpu.memory_space<hbm>>
      %dma_start3A_41 = tpu.memref_slice %arg3[%mul3A_34] : memref<28800xf32, #tpu.memory_space<hbm>> -> memref<3600xf32, #tpu.memory_space<hbm>>
      tpu.enqueue_dma source(%dma_start3A_41 : memref<3600xf32, #tpu.memory_space<hbm>>) target(%arg10 : memref<3600xf32, #tpu.memory_space<vmem>>) target_semaphore(%run_scoped3A : memref<!tpu.dma_semaphore, #tpu.memory_space<semaphore_mem>>)
      %dma_wait3A = tpu.memref_slice %arg3[%mul3A_34] : memref<28800xf32, #tpu.memory_space<hbm>> -> memref<3600xf32, #tpu.memory_space<hbm>>
      %dma_wait3A_42 = tpu.memref_slice %arg3[%mul3A_34] : memref<28800xf32, #tpu.memory_space<hbm>> -> memref<3600xf32, #tpu.memory_space<hbm>>
      tpu.wait_dma2 semaphore(%run_scoped3A : memref<!tpu.dma_semaphore, #tpu.memory_space<semaphore_mem>>) src(%dma_wait3A_42 : memref<3600xf32, #tpu.memory_space<hbm>>) dst(%arg10 : memref<3600xf32, #tpu.memory_space<vmem>>)
      tpu.yield
    }) : () -> ()
    "tpu.region"() ({
      %run_scoped3A = tpu.sem_alloc : memref<!tpu.dma_semaphore, #tpu.memory_space<semaphore_mem>>
      %dma_start3A = tpu.memref_slice %arg4[%mul3A_34] : memref<28800xf32, #tpu.memory_space<hbm>> -> memref<3600xf32, #tpu.memory_space<hbm>>
      %dma_start3A_41 = tpu.memref_slice %arg4[%mul3A_34] : memref<28800xf32, #tpu.memory_space<hbm>> -> memref<3600xf32, #tpu.memory_space<hbm>>
      tpu.enqueue_dma source(%dma_start3A_41 : memref<3600xf32, #tpu.memory_space<hbm>>) target(%arg11 : memref<3600xf32, #tpu.memory_space<vmem>>) target_semaphore(%run_scoped3A : memref<!tpu.dma_semaphore, #tpu.memory_space<semaphore_mem>>)
      %dma_wait3A = tpu.memref_slice %arg4[%mul3A_34] : memref<28800xf32, #tpu.memory_space<hbm>> -> memref<3600xf32, #tpu.memory_space<hbm>>
      %dma_wait3A_42 = tpu.memref_slice %arg4[%mul3A_34] : memref<28800xf32, #tpu.memory_space<hbm>> -> memref<3600xf32, #tpu.memory_space<hbm>>
      tpu.wait_dma2 semaphore(%run_scoped3A : memref<!tpu.dma_semaphore, #tpu.memory_space<semaphore_mem>>) src(%dma_wait3A_42 : memref<3600xf32, #tpu.memory_space<hbm>>) dst(%arg11 : memref<3600xf32, #tpu.memory_space<vmem>>)
      tpu.yield
    }) : () -> ()
    "tpu.region"() ({
      %run_scoped3A = tpu.sem_alloc : memref<!tpu.dma_semaphore, #tpu.memory_space<semaphore_mem>>
      %dma_start3A = tpu.memref_slice %arg5[%mul3A_34] : memref<28800xf32, #tpu.memory_space<hbm>> -> memref<3600xf32, #tpu.memory_space<hbm>>
      %dma_start3A_41 = tpu.memref_slice %arg5[%mul3A_34] : memref<28800xf32, #tpu.memory_space<hbm>> -> memref<3600xf32, #tpu.memory_space<hbm>>
      tpu.enqueue_dma source(%dma_start3A_41 : memref<3600xf32, #tpu.memory_space<hbm>>) target(%arg12 : memref<3600xf32, #tpu.memory_space<vmem>>) target_semaphore(%run_scoped3A : memref<!tpu.dma_semaphore, #tpu.memory_space<semaphore_mem>>)
      %dma_wait3A = tpu.memref_slice %arg5[%mul3A_34] : memref<28800xf32, #tpu.memory_space<hbm>> -> memref<3600xf32, #tpu.memory_space<hbm>>
      %dma_wait3A_42 = tpu.memref_slice %arg5[%mul3A_34] : memref<28800xf32, #tpu.memory_space<hbm>> -> memref<3600xf32, #tpu.memory_space<hbm>>
      tpu.wait_dma2 semaphore(%run_scoped3A : memref<!tpu.dma_semaphore, #tpu.memory_space<semaphore_mem>>) src(%dma_wait3A_42 : memref<3600xf32, #tpu.memory_space<hbm>>) dst(%arg12 : memref<3600xf32, #tpu.memory_space<vmem>>)
      tpu.yield
    }) : () -> ()
    "tpu.region"() ({
      %run_scoped3A = tpu.sem_alloc : memref<!tpu.dma_semaphore, #tpu.memory_space<semaphore_mem>>
      %dma_start3A = arith.constant 0 : i32
      %dma_start3A_41 = tpu.memref_slice %arg13[%dma_start3A] : memref<3616xf32, #tpu.memory_space<vmem>> -> memref<3600xf32, #tpu.memory_space<vmem>>
      %dma_start3A_42 = tpu.memref_slice %arg6[%mul3A_34] : memref<28800xf32, #tpu.memory_space<hbm>> -> memref<3600xf32, #tpu.memory_space<hbm>>
      %dma_start3A_43 = arith.constant 0 : i32
      %dma_start3A_44 = tpu.memref_slice %arg13[%dma_start3A_43] : memref<3616xf32, #tpu.memory_space<vmem>> -> memref<3600xf32, #tpu.memory_space<vmem>>
      %dma_start3A_45 = tpu.memref_slice %arg6[%mul3A_34] : memref<28800xf32, #tpu.memory_space<hbm>> -> memref<3600xf32, #tpu.memory_space<hbm>>
      tpu.enqueue_dma source(%dma_start3A_45 : memref<3600xf32, #tpu.memory_space<hbm>>) target(%dma_start3A_44 : memref<3600xf32, #tpu.memory_space<vmem>>) target_semaphore(%run_scoped3A : memref<!tpu.dma_semaphore, #tpu.memory_space<semaphore_mem>>)
      %dma_wait3A = arith.constant 0 : i32
      %dma_wait3A_46 = tpu.memref_slice %arg13[%dma_wait3A] : memref<3616xf32, #tpu.memory_space<vmem>> -> memref<3600xf32, #tpu.memory_space<vmem>>
      %dma_wait3A_47 = tpu.memref_slice %arg6[%mul3A_34] : memref<28800xf32, #tpu.memory_space<hbm>> -> memref<3600xf32, #tpu.memory_space<hbm>>
      %dma_wait3A_48 = arith.constant 0 : i32
      %dma_wait3A_49 = tpu.memref_slice %arg13[%dma_wait3A_48] : memref<3616xf32, #tpu.memory_space<vmem>> -> memref<3600xf32, #tpu.memory_space<vmem>>
      %dma_wait3A_50 = tpu.memref_slice %arg6[%mul3A_34] : memref<28800xf32, #tpu.memory_space<hbm>> -> memref<3600xf32, #tpu.memory_space<hbm>>
      tpu.wait_dma2 semaphore(%run_scoped3A : memref<!tpu.dma_semaphore, #tpu.memory_space<semaphore_mem>>) src(%dma_wait3A_50 : memref<3600xf32, #tpu.memory_space<hbm>>) dst(%dma_wait3A_49 : memref<3600xf32, #tpu.memory_space<vmem>>)
      tpu.yield
    }) : () -> ()
    "tpu.region"() ({
      %run_scoped3A = tpu.sem_alloc : memref<!tpu.dma_semaphore, #tpu.memory_space<semaphore_mem>>
      %dma_start3A = arith.constant 0 : i32
      %dma_start3A_41 = tpu.memref_slice %arg14[%dma_start3A] : memref<3616xf32, #tpu.memory_space<vmem>> -> memref<3600xf32, #tpu.memory_space<vmem>>
      %dma_start3A_42 = tpu.memref_slice %arg7[%mul3A_34] : memref<28800xf32, #tpu.memory_space<hbm>> -> memref<3600xf32, #tpu.memory_space<hbm>>
      %dma_start3A_43 = arith.constant 0 : i32
      %dma_start3A_44 = tpu.memref_slice %arg14[%dma_start3A_43] : memref<3616xf32, #tpu.memory_space<vmem>> -> memref<3600xf32, #tpu.memory_space<vmem>>
      %dma_start3A_45 = tpu.memref_slice %arg7[%mul3A_34] : memref<28800xf32, #tpu.memory_space<hbm>> -> memref<3600xf32, #tpu.memory_space<hbm>>
      tpu.enqueue_dma source(%dma_start3A_45 : memref<3600xf32, #tpu.memory_space<hbm>>) target(%dma_start3A_44 : memref<3600xf32, #tpu.memory_space<vmem>>) target_semaphore(%run_scoped3A : memref<!tpu.dma_semaphore, #tpu.memory_space<semaphore_mem>>)
      %dma_wait3A = arith.constant 0 : i32
      %dma_wait3A_46 = tpu.memref_slice %arg14[%dma_wait3A] : memref<3616xf32, #tpu.memory_space<vmem>> -> memref<3600xf32, #tpu.memory_space<vmem>>
      %dma_wait3A_47 = tpu.memref_slice %arg7[%mul3A_34] : memref<28800xf32, #tpu.memory_space<hbm>> -> memref<3600xf32, #tpu.memory_space<hbm>>
      %dma_wait3A_48 = arith.constant 0 : i32
      %dma_wait3A_49 = tpu.memref_slice %arg14[%dma_wait3A_48] : memref<3616xf32, #tpu.memory_space<vmem>> -> memref<3600xf32, #tpu.memory_space<vmem>>
      %dma_wait3A_50 = tpu.memref_slice %arg7[%mul3A_34] : memref<28800xf32, #tpu.memory_space<hbm>> -> memref<3600xf32, #tpu.memory_space<hbm>>
      tpu.wait_dma2 semaphore(%run_scoped3A : memref<!tpu.dma_semaphore, #tpu.memory_space<semaphore_mem>>) src(%dma_wait3A_50 : memref<3600xf32, #tpu.memory_space<hbm>>) dst(%dma_wait3A_49 : memref<3600xf32, #tpu.memory_space<vmem>>)
      tpu.yield
    }) : () -> ()
    "tpu.region"() ({
      %run_scoped3A = tpu.sem_alloc : memref<!tpu.dma_semaphore, #tpu.memory_space<semaphore_mem>>
      %dma_start3A = arith.constant 0 : i32
      %dma_start3A_41 = tpu.memref_slice %arg15[%dma_start3A] : memref<3616xf32, #tpu.memory_space<vmem>> -> memref<3600xf32, #tpu.memory_space<vmem>>
      %dma_start3A_42 = tpu.memref_slice %arg8[%mul3A_34] : memref<28800xf32, #tpu.memory_space<hbm>> -> memref<3600xf32, #tpu.memory_space<hbm>>
      %dma_start3A_43 = arith.constant 0 : i32
      %dma_start3A_44 = tpu.memref_slice %arg15[%dma_start3A_43] : memref<3616xf32, #tpu.memory_space<vmem>> -> memref<3600xf32, #tpu.memory_space<vmem>>
      %dma_start3A_45 = tpu.memref_slice %arg8[%mul3A_34] : memref<28800xf32, #tpu.memory_space<hbm>> -> memref<3600xf32, #tpu.memory_space<hbm>>
      tpu.enqueue_dma source(%dma_start3A_45 : memref<3600xf32, #tpu.memory_space<hbm>>) target(%dma_start3A_44 : memref<3600xf32, #tpu.memory_space<vmem>>) target_semaphore(%run_scoped3A : memref<!tpu.dma_semaphore, #tpu.memory_space<semaphore_mem>>)
      %dma_wait3A = arith.constant 0 : i32
      %dma_wait3A_46 = tpu.memref_slice %arg15[%dma_wait3A] : memref<3616xf32, #tpu.memory_space<vmem>> -> memref<3600xf32, #tpu.memory_space<vmem>>
      %dma_wait3A_47 = tpu.memref_slice %arg8[%mul3A_34] : memref<28800xf32, #tpu.memory_space<hbm>> -> memref<3600xf32, #tpu.memory_space<hbm>>
      %dma_wait3A_48 = arith.constant 0 : i32
      %dma_wait3A_49 = tpu.memref_slice %arg15[%dma_wait3A_48] : memref<3616xf32, #tpu.memory_space<vmem>> -> memref<3600xf32, #tpu.memory_space<vmem>>
      %dma_wait3A_50 = tpu.memref_slice %arg8[%mul3A_34] : memref<28800xf32, #tpu.memory_space<hbm>> -> memref<3600xf32, #tpu.memory_space<hbm>>
      tpu.wait_dma2 semaphore(%run_scoped3A : memref<!tpu.dma_semaphore, #tpu.memory_space<semaphore_mem>>) src(%dma_wait3A_50 : memref<3600xf32, #tpu.memory_space<hbm>>) dst(%dma_wait3A_49 : memref<3600xf32, #tpu.memory_space<vmem>>)
      tpu.yield
    }) : () -> ()
    %iota3A = tpu.iota {dimensions = array<i32: 0>} : vector<16xi32>
    %scan3A = arith.constant 0 : i32
    %scan3A_35 = arith.constant 0x7F800000 : f32
    %scan3A_36 = arith.constant 0 : i32
    %scan3A_37 = arith.constant 6 : i32
    %scan3A_38 = arith.addi %scan3A_36, %scan3A_37 : i32
    %scan3A_39 = arith.constant 1 : i32
    scf.for %scan3A_41 = %scan3A_36 to %scan3A_38 step %scan3A_39  : i32 {
      %mul3A_42 = arith.constant 900 : i32
      %mul3A_43 = arith.muli %add3A, %mul3A_42 : i32
      %mul3A_44 = arith.constant 150 : i32
      %mul3A_45 = arith.muli %scan3A_41, %mul3A_44 : i32
      %add3A_46 = arith.addi %mul3A_43, %mul3A_45 : i32
      %add3A_47 = arith.constant 0 : i32
      %add3A_48 = arith.addi %add3A_46, %add3A_47 : i32
      %mul3A_49 = arith.constant 3600 : i32
      %mul3A_50 = arith.muli %add3A_48, %mul3A_49 : i32
      %dma_start3A = tpu.memref_slice %arg2[%mul3A_50] : memref<103680000xf32, #tpu.memory_space<hbm>> -> memref<3600xf32, #tpu.memory_space<hbm>>
      %dma_start3A_51 = tpu.memref_slice %arg2[%mul3A_50] : memref<103680000xf32, #tpu.memory_space<hbm>> -> memref<3600xf32, #tpu.memory_space<hbm>>
      tpu.enqueue_dma source(%dma_start3A_51 : memref<3600xf32, #tpu.memory_space<hbm>>) target(%arg16 : memref<3600xf32, #tpu.memory_space<vmem>>) target_semaphore(%arg19 : memref<!tpu.dma_semaphore, #tpu.memory_space<semaphore_mem>>)
      %add3A_52 = arith.constant 1 : i32
      %add3A_53 = arith.addi %add3A_46, %add3A_52 : i32
      %mul3A_54 = arith.constant 3600 : i32
      %mul3A_55 = arith.muli %add3A_53, %mul3A_54 : i32
      %dma_start3A_56 = tpu.memref_slice %arg2[%mul3A_55] : memref<103680000xf32, #tpu.memory_space<hbm>> -> memref<3600xf32, #tpu.memory_space<hbm>>
      %dma_start3A_57 = tpu.memref_slice %arg2[%mul3A_55] : memref<103680000xf32, #tpu.memory_space<hbm>> -> memref<3600xf32, #tpu.memory_space<hbm>>
      tpu.enqueue_dma source(%dma_start3A_57 : memref<3600xf32, #tpu.memory_space<hbm>>) target(%arg17 : memref<3600xf32, #tpu.memory_space<vmem>>) target_semaphore(%arg20 : memref<!tpu.dma_semaphore, #tpu.memory_space<semaphore_mem>>)
      %scan3A_58 = arith.constant 0 : i32
      %scan3A_59 = arith.constant 0 : i32
      %scan3A_60 = arith.constant 75 : i32
      %scan3A_61 = arith.addi %scan3A_59, %scan3A_60 : i32
      %scan3A_62 = arith.constant 1 : i32
      scf.for %scan3A_77 = %scan3A_59 to %scan3A_61 step %scan3A_62  : i32 {
        %mul3A_78 = arith.constant 2 : i32
        %mul3A_79 = arith.muli %mul3A_78, %scan3A_77 : i32
        %mul3A_80 = arith.constant 2 : i32
        %mul3A_81 = arith.muli %mul3A_80, %scan3A_77 : i32
        %add3A_82 = arith.constant 1 : i32
        %add3A_83 = arith.addi %mul3A_81, %add3A_82 : i32
        %add3A_84 = arith.addi %add3A_46, %mul3A_79 : i32
        %mul3A_85 = arith.constant 3600 : i32
        %mul3A_86 = arith.muli %add3A_84, %mul3A_85 : i32
        %dma_wait3A_87 = tpu.memref_slice %arg2[%mul3A_86] : memref<103680000xf32, #tpu.memory_space<hbm>> -> memref<3600xf32, #tpu.memory_space<hbm>>
        %dma_wait3A_88 = tpu.memref_slice %arg2[%mul3A_86] : memref<103680000xf32, #tpu.memory_space<hbm>> -> memref<3600xf32, #tpu.memory_space<hbm>>
        tpu.wait_dma2 semaphore(%arg19 : memref<!tpu.dma_semaphore, #tpu.memory_space<semaphore_mem>>) src(%dma_wait3A_88 : memref<3600xf32, #tpu.memory_space<hbm>>) dst(%arg16 : memref<3600xf32, #tpu.memory_space<vmem>>)
        %mul3A_89 = arith.constant 150 : i32
        %mul3A_90 = arith.muli %scan3A_41, %mul3A_89 : i32
        %add3A_91 = arith.addi %mul3A_32, %mul3A_90 : i32
        %add3A_92 = arith.addi %add3A_91, %mul3A_79 : i32
        %get3A = arith.index_cast %add3A_92 : i32 to index
        %get3A_93 = tpu.vector_load %arg13[%get3A] {strides = array<i32>} : memref<3616xf32, #tpu.memory_space<vmem>>, vector<16xf32>,
        %slice3A = vector.extract_strided_slice %get3A_93 {offsets = [0], sizes = [1], strides = [1]} : vector<16xf32> to vector<1xf32>
        %squeeze3A = vector.extract %slice3A[0] : f32 from vector<1xf32>
        %get3A_94 = arith.index_cast %add3A_92 : i32 to index
        %get3A_95 = tpu.vector_load %arg14[%get3A_94] {strides = array<i32>} : memref<3616xf32, #tpu.memory_space<vmem>>, vector<16xf32>,
        %slice3A_96 = vector.extract_strided_slice %get3A_95 {offsets = [0], sizes = [1], strides = [1]} : vector<16xf32> to vector<1xf32>
        %squeeze3A_97 = vector.extract %slice3A_96[0] : f32 from vector<1xf32>
        %get3A_98 = arith.index_cast %add3A_92 : i32 to index
        %get3A_99 = tpu.vector_load %arg15[%get3A_98] {strides = array<i32>} : memref<3616xf32, #tpu.memory_space<vmem>>, vector<16xf32>,
        %slice3A_100 = vector.extract_strided_slice %get3A_99 {offsets = [0], sizes = [1], strides = [1]} : vector<16xf32> to vector<1xf32>
        %squeeze3A_101 = vector.extract %slice3A_100[0] : f32 from vector<1xf32>
        %broadcast_in_dim3A = vector.broadcast %squeeze3A : f32 to vector<16xf32>
        %broadcast_in_dim3A_102 = vector.broadcast %squeeze3A_97 : f32 to vector<16xf32>
        %broadcast_in_dim3A_103 = vector.broadcast %squeeze3A_101 : f32 to vector<16xf32>
        %broadcast_in_dim3A_104 = vector.broadcast %scan3A_35 : f32 to vector<16xf32>
        %broadcast_in_dim3A_105 = arith.constant 0 : i32
        %broadcast_in_dim3A_106 = vector.broadcast %broadcast_in_dim3A_105 : i32 to vector<16xi32>
        %broadcast_in_dim3A_107 = vector.broadcast %scan3A_35 : f32 to vector<16xf32>
        %broadcast_in_dim3A_108 = arith.constant 0 : i32
        %broadcast_in_dim3A_109 = vector.broadcast %broadcast_in_dim3A_108 : i32 to vector<16xi32>
        %scan3A_110 = arith.constant 0 : i32
        %scan3A_111 = arith.constant 225 : i32
        %scan3A_112 = arith.addi %scan3A_110, %scan3A_111 : i32
        %scan3A_113 = arith.constant 1 : i32
        %scan3A_114:5 = scf.for %scan3A_312 = %scan3A_110 to %scan3A_112 step %scan3A_113 iter_args(%scan3A_313 = %broadcast_in_dim3A_104, %scan3A_314 = %broadcast_in_dim3A_106, %scan3A_315 = %broadcast_in_dim3A_107, %scan3A_316 = %broadcast_in_dim3A_109, %scan3A_317 = %scan3A_35) -> (vector<16xf32>, vector<16xi32>, vector<16xf32>, vector<16xi32>, f32)  : i32 {
          %mul3A_318 = arith.constant 16 : i32
          %mul3A_319 = arith.muli %scan3A_312, %mul3A_318 : i32
          %get3A_320 = arith.index_cast %mul3A_319 : i32 to index
          %get3A_321 = tpu.vector_load %arg16[%get3A_320] {strides = array<i32>} : memref<3600xf32, #tpu.memory_space<vmem>>, vector<16xf32>,
          %mul3A_322 = arith.constant 16 : i32
          %mul3A_323 = arith.muli %scan3A_312, %mul3A_322 : i32
          %add3A_324 = vector.broadcast %mul3A_323 : i32 to vector<16xi32>
          %add3A_325 = arith.addi %add3A_324, %iota3A : vector<16xi32>
          %masked_sort3A = arith.constant dense<true> : vector<16xi1>
          %masked_sort3A_326, %masked_sort3A_327, %masked_sort3A_328 = tpu.sort %get3A_321, %add3A_325 masked %masked_sort3A : (vector<16xf32>, vector<16xi32>, vector<16xi1>) -> (vector<16xi1>, vector<16xf32>, vector<16xi32>)
          %slice3A_329 = vector.extract_strided_slice %masked_sort3A_327 {offsets = [0], sizes = [1], strides = [1]} : vector<16xf32> to vector<1xf32>
          %squeeze3A_330 = vector.extract %slice3A_329[0] : f32 from vector<1xf32>
          %lt3A_331 = arith.cmpf olt, %squeeze3A_330, %scan3A_317 : f32
          %convert_element_type3A = arith.extui %lt3A_331 : i1 to i32
          %cond3A = arith.constant 0 : i32
          %cond3A_332 = arith.cmpi ne, %convert_element_type3A, %cond3A : i32
          %cond3A_333:5 = scf.if %cond3A_332 -> (vector<16xf32>, vector<16xi32>, vector<16xf32>, vector<16xi32>, f32) {
            %rev3A = arith.constant 15 : i32
            %rev3A_334 = vector.broadcast %rev3A : i32 to vector<16xi32>
            %rev3A_335 = tpu.iota {dimensions = array<i32: 0>} : vector<16xi32>
            %rev3A_336 = arith.subi %rev3A_334, %rev3A_335 : vector<16xi32>
            %rev3A_337 = tpu.dynamic_gather %masked_sort3A_327[%rev3A_336] in [0] : vector<16xf32>, vector<16xi32> -> vector<16xf32>
            %rev3A_338 = arith.constant 15 : i32
            %rev3A_339 = vector.broadcast %rev3A_338 : i32 to vector<16xi32>
            %rev3A_340 = tpu.iota {dimensions = array<i32: 0>} : vector<16xi32>
            %rev3A_341 = arith.subi %rev3A_339, %rev3A_340 : vector<16xi32>
            %rev3A_342 = tpu.dynamic_gather %masked_sort3A_328[%rev3A_341] in [0] : vector<16xi32>, vector<16xi32> -> vector<16xi32>
            %le3A = arith.cmpf ole, %scan3A_315, %rev3A_337 : vector<16xf32>
            %select_n3A_343 = arith.select %le3A, %scan3A_315, %rev3A_337 : vector<16xi1>, vector<16xf32>
            %select_n3A_344 = arith.select %le3A, %scan3A_316, %rev3A_342 : vector<16xi1>, vector<16xi32>
            %le3A_345 = arith.cmpf ole, %scan3A_313, %select_n3A_343 : vector<16xf32>
            %select_n3A_346 = arith.select %le3A_345, %scan3A_313, %select_n3A_343 : vector<16xi1>, vector<16xf32>
            %select_n3A_347 = arith.select %le3A_345, %scan3A_314, %select_n3A_344 : vector<16xi1>, vector<16xi32>
            %select_n3A_348 = arith.select %le3A_345, %select_n3A_343, %scan3A_313 : vector<16xi1>, vector<16xf32>
            %select_n3A_349 = arith.select %le3A_345, %select_n3A_344, %scan3A_314 : vector<16xi1>, vector<16xi32>
            %masked_sort3A_350 = arith.constant dense<true> : vector<16xi1>
            %masked_sort3A_351, %masked_sort3A_352, %masked_sort3A_353 = tpu.sort %select_n3A_346, %select_n3A_347 masked %masked_sort3A_350 : (vector<16xf32>, vector<16xi32>, vector<16xi1>) -> (vector<16xi1>, vector<16xf32>, vector<16xi32>)
            %masked_sort3A_354 = arith.constant dense<true> : vector<16xi1>
            %masked_sort3A_355, %masked_sort3A_356, %masked_sort3A_357 = tpu.sort %select_n3A_348, %select_n3A_349 masked %masked_sort3A_354 : (vector<16xf32>, vector<16xi32>, vector<16xi1>) -> (vector<16xi1>, vector<16xf32>, vector<16xi32>)
            %slice3A_358 = vector.extract_strided_slice %masked_sort3A_356 {offsets = [15], sizes = [1], strides = [1]} : vector<16xf32> to vector<1xf32>
            %squeeze3A_359 = vector.extract %slice3A_358[0] : f32 from vector<1xf32>
            scf.yield %masked_sort3A_352, %masked_sort3A_353, %masked_sort3A_356, %masked_sort3A_357, %squeeze3A_359 : vector<16xf32>, vector<16xi32>, vector<16xf32>, vector<16xi32>, f32
          } else {
            scf.yield %scan3A_313, %scan3A_314, %scan3A_315, %scan3A_316, %scan3A_317 : vector<16xf32>, vector<16xi32>, vector<16xf32>, vector<16xi32>, f32
          }
          scf.yield %cond3A_333#0, %cond3A_333#1, %cond3A_333#2, %cond3A_333#3, %cond3A_333#4 : vector<16xf32>, vector<16xi32>, vector<16xf32>, vector<16xi32>, f32
        }
        %scan3A_115 = arith.constant 225 : i32
        %gather3A = tpu.vector_load_idx %arg10[%scan3A_114#1] : memref<3600xf32, #tpu.memory_space<vmem>>[vector<16xi32>], vector<16xf32>,
        %gather3A_116 = tpu.vector_load_idx %arg11[%scan3A_114#1] : memref<3600xf32, #tpu.memory_space<vmem>>[vector<16xi32>], vector<16xf32>,
        %gather3A_117 = tpu.vector_load_idx %arg12[%scan3A_114#1] : memref<3600xf32, #tpu.memory_space<vmem>>[vector<16xi32>], vector<16xf32>,
        %gather3A_118 = tpu.vector_load_idx %arg10[%scan3A_114#3] : memref<3600xf32, #tpu.memory_space<vmem>>[vector<16xi32>], vector<16xf32>,
        %gather3A_119 = tpu.vector_load_idx %arg11[%scan3A_114#3] : memref<3600xf32, #tpu.memory_space<vmem>>[vector<16xi32>], vector<16xf32>,
        %gather3A_120 = tpu.vector_load_idx %arg12[%scan3A_114#3] : memref<3600xf32, #tpu.memory_space<vmem>>[vector<16xi32>], vector<16xf32>,
        %mul3A_121 = arith.constant 256 : i32
        %mul3A_122 = arith.muli %mul3A_79, %mul3A_121 : i32
        %mul3A_123 = arith.constant 8 : i32
        %mul3A_124 = vector.broadcast %mul3A_123 : i32 to vector<16xi32>
        %mul3A_125 = arith.muli %iota3A, %mul3A_124 : vector<16xi32>
        %add3A_126 = vector.broadcast %mul3A_122 : i32 to vector<16xi32>
        %add3A_127 = arith.addi %add3A_126, %mul3A_125 : vector<16xi32>
        %add3A_128 = arith.constant 128 : i32
        %add3A_129 = vector.broadcast %add3A_128 : i32 to vector<16xi32>
        %add3A_130 = arith.addi %add3A_127, %add3A_129 : vector<16xi32>
        %sub3A_131 = arith.subf %gather3A, %broadcast_in_dim3A : vector<16xf32>
        %add3A_132 = arith.constant 0 : i32
        %add3A_133 = vector.broadcast %add3A_132 : i32 to vector<16xi32>
        %add3A_134 = arith.addi %add3A_127, %add3A_133 : vector<16xi32>
        tpu.vector_store_idx %arg18[%add3A_134], %sub3A_131 : memref<38400xf32, #tpu.memory_space<vmem>>[vector<16xi32>], vector<16xf32>,
        %sub3A_135 = arith.subf %gather3A_116, %broadcast_in_dim3A_102 : vector<16xf32>
        %add3A_136 = arith.constant 1 : i32
        %add3A_137 = vector.broadcast %add3A_136 : i32 to vector<16xi32>
        %add3A_138 = arith.addi %add3A_127, %add3A_137 : vector<16xi32>
        tpu.vector_store_idx %arg18[%add3A_138], %sub3A_135 : memref<38400xf32, #tpu.memory_space<vmem>>[vector<16xi32>], vector<16xf32>,
        %sub3A_139 = arith.subf %gather3A_117, %broadcast_in_dim3A_103 : vector<16xf32>
        %add3A_140 = arith.constant 2 : i32
        %add3A_141 = vector.broadcast %add3A_140 : i32 to vector<16xi32>
        %add3A_142 = arith.addi %add3A_127, %add3A_141 : vector<16xi32>
        tpu.vector_store_idx %arg18[%add3A_142], %sub3A_139 : memref<38400xf32, #tpu.memory_space<vmem>>[vector<16xi32>], vector<16xf32>,
        %add3A_143 = arith.constant 3 : i32
        %add3A_144 = vector.broadcast %add3A_143 : i32 to vector<16xi32>
        %add3A_145 = arith.addi %add3A_127, %add3A_144 : vector<16xi32>
        tpu.vector_store_idx %arg18[%add3A_145], %gather3A : memref<38400xf32, #tpu.memory_space<vmem>>[vector<16xi32>], vector<16xf32>,
        %add3A_146 = arith.constant 4 : i32
        %add3A_147 = vector.broadcast %add3A_146 : i32 to vector<16xi32>
        %add3A_148 = arith.addi %add3A_127, %add3A_147 : vector<16xi32>
        tpu.vector_store_idx %arg18[%add3A_148], %gather3A_116 : memref<38400xf32, #tpu.memory_space<vmem>>[vector<16xi32>], vector<16xf32>,
        %add3A_149 = arith.constant 5 : i32
        %add3A_150 = vector.broadcast %add3A_149 : i32 to vector<16xi32>
        %add3A_151 = arith.addi %add3A_127, %add3A_150 : vector<16xi32>
        tpu.vector_store_idx %arg18[%add3A_151], %gather3A_117 : memref<38400xf32, #tpu.memory_space<vmem>>[vector<16xi32>], vector<16xf32>,
        %sub3A_152 = arith.subf %gather3A_118, %broadcast_in_dim3A : vector<16xf32>
        %add3A_153 = arith.constant 0 : i32
        %add3A_154 = vector.broadcast %add3A_153 : i32 to vector<16xi32>
        %add3A_155 = arith.addi %add3A_130, %add3A_154 : vector<16xi32>
        tpu.vector_store_idx %arg18[%add3A_155], %sub3A_152 : memref<38400xf32, #tpu.memory_space<vmem>>[vector<16xi32>], vector<16xf32>,
        %sub3A_156 = arith.subf %gather3A_119, %broadcast_in_dim3A_102 : vector<16xf32>
        %add3A_157 = arith.constant 1 : i32
        %add3A_158 = vector.broadcast %add3A_157 : i32 to vector<16xi32>
        %add3A_159 = arith.addi %add3A_130, %add3A_158 : vector<16xi32>
        tpu.vector_store_idx %arg18[%add3A_159], %sub3A_156 : memref<38400xf32, #tpu.memory_space<vmem>>[vector<16xi32>], vector<16xf32>,
        %sub3A_160 = arith.subf %gather3A_120, %broadcast_in_dim3A_103 : vector<16xf32>
        %add3A_161 = arith.constant 2 : i32
        %add3A_162 = vector.broadcast %add3A_161 : i32 to vector<16xi32>
        %add3A_163 = arith.addi %add3A_130, %add3A_162 : vector<16xi32>
        tpu.vector_store_idx %arg18[%add3A_163], %sub3A_160 : memref<38400xf32, #tpu.memory_space<vmem>>[vector<16xi32>], vector<16xf32>,
        %add3A_164 = arith.constant 3 : i32
        %add3A_165 = vector.broadcast %add3A_164 : i32 to vector<16xi32>
        %add3A_166 = arith.addi %add3A_130, %add3A_165 : vector<16xi32>
        tpu.vector_store_idx %arg18[%add3A_166], %gather3A_118 : memref<38400xf32, #tpu.memory_space<vmem>>[vector<16xi32>], vector<16xf32>,
        %add3A_167 = arith.constant 4 : i32
        %add3A_168 = vector.broadcast %add3A_167 : i32 to vector<16xi32>
        %add3A_169 = arith.addi %add3A_130, %add3A_168 : vector<16xi32>
        tpu.vector_store_idx %arg18[%add3A_169], %gather3A_119 : memref<38400xf32, #tpu.memory_space<vmem>>[vector<16xi32>], vector<16xf32>,
        %add3A_170 = arith.constant 5 : i32
        %add3A_171 = vector.broadcast %add3A_170 : i32 to vector<16xi32>
        %add3A_172 = arith.addi %add3A_130, %add3A_171 : vector<16xi32>
        tpu.vector_store_idx %arg18[%add3A_172], %gather3A_120 : memref<38400xf32, #tpu.memory_space<vmem>>[vector<16xi32>], vector<16xf32>,
        %broadcast_in_dim3A_173 = arith.constant 0.000000e+00 : f32
        %broadcast_in_dim3A_174 = vector.broadcast %broadcast_in_dim3A_173 : f32 to vector<16xf32>
        %add3A_175 = arith.constant 6 : i32
        %add3A_176 = vector.broadcast %add3A_175 : i32 to vector<16xi32>
        %add3A_177 = arith.addi %add3A_127, %add3A_176 : vector<16xi32>
        tpu.vector_store_idx %arg18[%add3A_177], %broadcast_in_dim3A_174 : memref<38400xf32, #tpu.memory_space<vmem>>[vector<16xi32>], vector<16xf32>,
        %add3A_178 = arith.constant 7 : i32
        %add3A_179 = vector.broadcast %add3A_178 : i32 to vector<16xi32>
        %add3A_180 = arith.addi %add3A_127, %add3A_179 : vector<16xi32>
        tpu.vector_store_idx %arg18[%add3A_180], %broadcast_in_dim3A_174 : memref<38400xf32, #tpu.memory_space<vmem>>[vector<16xi32>], vector<16xf32>,
        %add3A_181 = arith.constant 6 : i32
        %add3A_182 = vector.broadcast %add3A_181 : i32 to vector<16xi32>
        %add3A_183 = arith.addi %add3A_130, %add3A_182 : vector<16xi32>
        tpu.vector_store_idx %arg18[%add3A_183], %broadcast_in_dim3A_174 : memref<38400xf32, #tpu.memory_space<vmem>>[vector<16xi32>], vector<16xf32>,
        %add3A_184 = arith.constant 7 : i32
        %add3A_185 = vector.broadcast %add3A_184 : i32 to vector<16xi32>
        %add3A_186 = arith.addi %add3A_130, %add3A_185 : vector<16xi32>
        tpu.vector_store_idx %arg18[%add3A_186], %broadcast_in_dim3A_174 : memref<38400xf32, #tpu.memory_space<vmem>>[vector<16xi32>], vector<16xf32>,
        %add3A_187 = arith.constant 2 : i32
        %add3A_188 = arith.addi %mul3A_79, %add3A_187 : i32
        %min3A = arith.constant 148 : i32
        %min3A_189 = arith.minsi %add3A_188, %min3A : i32
        %add3A_190 = arith.addi %add3A_46, %min3A_189 : i32
        %mul3A_191 = arith.constant 3600 : i32
        %mul3A_192 = arith.muli %add3A_190, %mul3A_191 : i32
        %dma_start3A_193 = tpu.memref_slice %arg2[%mul3A_192] : memref<103680000xf32, #tpu.memory_space<hbm>> -> memref<3600xf32, #tpu.memory_space<hbm>>
        %dma_start3A_194 = tpu.memref_slice %arg2[%mul3A_192] : memref<103680000xf32, #tpu.memory_space<hbm>> -> memref<3600xf32, #tpu.memory_space<hbm>>
        tpu.enqueue_dma source(%dma_start3A_194 : memref<3600xf32, #tpu.memory_space<hbm>>) target(%arg16 : memref<3600xf32, #tpu.memory_space<vmem>>) target_semaphore(%arg19 : memref<!tpu.dma_semaphore, #tpu.memory_space<semaphore_mem>>)
        %add3A_195 = arith.addi %add3A_46, %add3A_83 : i32
        %mul3A_196 = arith.constant 3600 : i32
        %mul3A_197 = arith.muli %add3A_195, %mul3A_196 : i32
        %dma_wait3A_198 = tpu.memref_slice %arg2[%mul3A_197] : memref<103680000xf32, #tpu.memory_space<hbm>> -> memref<3600xf32, #tpu.memory_space<hbm>>
        %dma_wait3A_199 = tpu.memref_slice %arg2[%mul3A_197] : memref<103680000xf32, #tpu.memory_space<hbm>> -> memref<3600xf32, #tpu.memory_space<hbm>>
        tpu.wait_dma2 semaphore(%arg20 : memref<!tpu.dma_semaphore, #tpu.memory_space<semaphore_mem>>) src(%dma_wait3A_199 : memref<3600xf32, #tpu.memory_space<hbm>>) dst(%arg17 : memref<3600xf32, #tpu.memory_space<vmem>>)
        %mul3A_200 = arith.constant 150 : i32
        %mul3A_201 = arith.muli %scan3A_41, %mul3A_200 : i32
        %add3A_202 = arith.addi %mul3A_32, %mul3A_201 : i32
        %add3A_203 = arith.addi %add3A_202, %add3A_83 : i32
        %get3A_204 = arith.index_cast %add3A_203 : i32 to index
        %get3A_205 = tpu.vector_load %arg13[%get3A_204] {strides = array<i32>} : memref<3616xf32, #tpu.memory_space<vmem>>, vector<16xf32>,
        %slice3A_206 = vector.extract_strided_slice %get3A_205 {offsets = [0], sizes = [1], strides = [1]} : vector<16xf32> to vector<1xf32>
        %squeeze3A_207 = vector.extract %slice3A_206[0] : f32 from vector<1xf32>
        %get3A_208 = arith.index_cast %add3A_203 : i32 to index
        %get3A_209 = tpu.vector_load %arg14[%get3A_208] {strides = array<i32>} : memref<3616xf32, #tpu.memory_space<vmem>>, vector<16xf32>,
        %slice3A_210 = vector.extract_strided_slice %get3A_209 {offsets = [0], sizes = [1], strides = [1]} : vector<16xf32> to vector<1xf32>
        %squeeze3A_211 = vector.extract %slice3A_210[0] : f32 from vector<1xf32>
        %get3A_212 = arith.index_cast %add3A_203 : i32 to index
        %get3A_213 = tpu.vector_load %arg15[%get3A_212] {strides = array<i32>} : memref<3616xf32, #tpu.memory_space<vmem>>, vector<16xf32>,
        %slice3A_214 = vector.extract_strided_slice %get3A_213 {offsets = [0], sizes = [1], strides = [1]} : vector<16xf32> to vector<1xf32>
        %squeeze3A_215 = vector.extract %slice3A_214[0] : f32 from vector<1xf32>
        %broadcast_in_dim3A_216 = vector.broadcast %squeeze3A_207 : f32 to vector<16xf32>
        %broadcast_in_dim3A_217 = vector.broadcast %squeeze3A_211 : f32 to vector<16xf32>
        %broadcast_in_dim3A_218 = vector.broadcast %squeeze3A_215 : f32 to vector<16xf32>
        %broadcast_in_dim3A_219 = vector.broadcast %scan3A_35 : f32 to vector<16xf32>
        %broadcast_in_dim3A_220 = arith.constant 0 : i32
        %broadcast_in_dim3A_221 = vector.broadcast %broadcast_in_dim3A_220 : i32 to vector<16xi32>
        %broadcast_in_dim3A_222 = vector.broadcast %scan3A_35 : f32 to vector<16xf32>
        %broadcast_in_dim3A_223 = arith.constant 0 : i32
        %broadcast_in_dim3A_224 = vector.broadcast %broadcast_in_dim3A_223 : i32 to vector<16xi32>
        %scan3A_225 = arith.constant 0 : i32
        %scan3A_226 = arith.constant 225 : i32
        %scan3A_227 = arith.addi %scan3A_225, %scan3A_226 : i32
        %scan3A_228 = arith.constant 1 : i32
        %scan3A_229:5 = scf.for %scan3A_312 = %scan3A_225 to %scan3A_227 step %scan3A_228 iter_args(%scan3A_313 = %broadcast_in_dim3A_219, %scan3A_314 = %broadcast_in_dim3A_221, %scan3A_315 = %broadcast_in_dim3A_222, %scan3A_316 = %broadcast_in_dim3A_224, %scan3A_317 = %scan3A_35) -> (vector<16xf32>, vector<16xi32>, vector<16xf32>, vector<16xi32>, f32)  : i32 {
          %mul3A_318 = arith.constant 16 : i32
          %mul3A_319 = arith.muli %scan3A_312, %mul3A_318 : i32
          %get3A_320 = arith.index_cast %mul3A_319 : i32 to index
          %get3A_321 = tpu.vector_load %arg17[%get3A_320] {strides = array<i32>} : memref<3600xf32, #tpu.memory_space<vmem>>, vector<16xf32>,
          %mul3A_322 = arith.constant 16 : i32
          %mul3A_323 = arith.muli %scan3A_312, %mul3A_322 : i32
          %add3A_324 = vector.broadcast %mul3A_323 : i32 to vector<16xi32>
          %add3A_325 = arith.addi %add3A_324, %iota3A : vector<16xi32>
          %masked_sort3A = arith.constant dense<true> : vector<16xi1>
          %masked_sort3A_326, %masked_sort3A_327, %masked_sort3A_328 = tpu.sort %get3A_321, %add3A_325 masked %masked_sort3A : (vector<16xf32>, vector<16xi32>, vector<16xi1>) -> (vector<16xi1>, vector<16xf32>, vector<16xi32>)
          %slice3A_329 = vector.extract_strided_slice %masked_sort3A_327 {offsets = [0], sizes = [1], strides = [1]} : vector<16xf32> to vector<1xf32>
          %squeeze3A_330 = vector.extract %slice3A_329[0] : f32 from vector<1xf32>
          %lt3A_331 = arith.cmpf olt, %squeeze3A_330, %scan3A_317 : f32
          %convert_element_type3A = arith.extui %lt3A_331 : i1 to i32
          %cond3A = arith.constant 0 : i32
          %cond3A_332 = arith.cmpi ne, %convert_element_type3A, %cond3A : i32
          %cond3A_333:5 = scf.if %cond3A_332 -> (vector<16xf32>, vector<16xi32>, vector<16xf32>, vector<16xi32>, f32) {
            %rev3A = arith.constant 15 : i32
            %rev3A_334 = vector.broadcast %rev3A : i32 to vector<16xi32>
            %rev3A_335 = tpu.iota {dimensions = array<i32: 0>} : vector<16xi32>
            %rev3A_336 = arith.subi %rev3A_334, %rev3A_335 : vector<16xi32>
            %rev3A_337 = tpu.dynamic_gather %masked_sort3A_327[%rev3A_336] in [0] : vector<16xf32>, vector<16xi32> -> vector<16xf32>
            %rev3A_338 = arith.constant 15 : i32
            %rev3A_339 = vector.broadcast %rev3A_338 : i32 to vector<16xi32>
            %rev3A_340 = tpu.iota {dimensions = array<i32: 0>} : vector<16xi32>
            %rev3A_341 = arith.subi %rev3A_339, %rev3A_340 : vector<16xi32>
            %rev3A_342 = tpu.dynamic_gather %masked_sort3A_328[%rev3A_341] in [0] : vector<16xi32>, vector<16xi32> -> vector<16xi32>
            %le3A = arith.cmpf ole, %scan3A_315, %rev3A_337 : vector<16xf32>
            %select_n3A_343 = arith.select %le3A, %scan3A_315, %rev3A_337 : vector<16xi1>, vector<16xf32>
            %select_n3A_344 = arith.select %le3A, %scan3A_316, %rev3A_342 : vector<16xi1>, vector<16xi32>
            %le3A_345 = arith.cmpf ole, %scan3A_313, %select_n3A_343 : vector<16xf32>
            %select_n3A_346 = arith.select %le3A_345, %scan3A_313, %select_n3A_343 : vector<16xi1>, vector<16xf32>
            %select_n3A_347 = arith.select %le3A_345, %scan3A_314, %select_n3A_344 : vector<16xi1>, vector<16xi32>
            %select_n3A_348 = arith.select %le3A_345, %select_n3A_343, %scan3A_313 : vector<16xi1>, vector<16xf32>
            %select_n3A_349 = arith.select %le3A_345, %select_n3A_344, %scan3A_314 : vector<16xi1>, vector<16xi32>
            %masked_sort3A_350 = arith.constant dense<true> : vector<16xi1>
            %masked_sort3A_351, %masked_sort3A_352, %masked_sort3A_353 = tpu.sort %select_n3A_346, %select_n3A_347 masked %masked_sort3A_350 : (vector<16xf32>, vector<16xi32>, vector<16xi1>) -> (vector<16xi1>, vector<16xf32>, vector<16xi32>)
            %masked_sort3A_354 = arith.constant dense<true> : vector<16xi1>
            %masked_sort3A_355, %masked_sort3A_356, %masked_sort3A_357 = tpu.sort %select_n3A_348, %select_n3A_349 masked %masked_sort3A_354 : (vector<16xf32>, vector<16xi32>, vector<16xi1>) -> (vector<16xi1>, vector<16xf32>, vector<16xi32>)
            %slice3A_358 = vector.extract_strided_slice %masked_sort3A_356 {offsets = [15], sizes = [1], strides = [1]} : vector<16xf32> to vector<1xf32>
            %squeeze3A_359 = vector.extract %slice3A_358[0] : f32 from vector<1xf32>
            scf.yield %masked_sort3A_352, %masked_sort3A_353, %masked_sort3A_356, %masked_sort3A_357, %squeeze3A_359 : vector<16xf32>, vector<16xi32>, vector<16xf32>, vector<16xi32>, f32
          } else {
            scf.yield %scan3A_313, %scan3A_314, %scan3A_315, %scan3A_316, %scan3A_317 : vector<16xf32>, vector<16xi32>, vector<16xf32>, vector<16xi32>, f32
          }
          scf.yield %cond3A_333#0, %cond3A_333#1, %cond3A_333#2, %cond3A_333#3, %cond3A_333#4 : vector<16xf32>, vector<16xi32>, vector<16xf32>, vector<16xi32>, f32
        }
        %scan3A_230 = arith.constant 225 : i32
        %gather3A_231 = tpu.vector_load_idx %arg10[%scan3A_229#1] : memref<3600xf32, #tpu.memory_space<vmem>>[vector<16xi32>], vector<16xf32>,
        %gather3A_232 = tpu.vector_load_idx %arg11[%scan3A_229#1] : memref<3600xf32, #tpu.memory_space<vmem>>[vector<16xi32>], vector<16xf32>,
        %gather3A_233 = tpu.vector_load_idx %arg12[%scan3A_229#1] : memref<3600xf32, #tpu.memory_space<vmem>>[vector<16xi32>], vector<16xf32>,
        %gather3A_234 = tpu.vector_load_idx %arg10[%scan3A_229#3] : memref<3600xf32, #tpu.memory_space<vmem>>[vector<16xi32>], vector<16xf32>,
        %gather3A_235 = tpu.vector_load_idx %arg11[%scan3A_229#3] : memref<3600xf32, #tpu.memory_space<vmem>>[vector<16xi32>], vector<16xf32>,
        %gather3A_236 = tpu.vector_load_idx %arg12[%scan3A_229#3] : memref<3600xf32, #tpu.memory_space<vmem>>[vector<16xi32>], vector<16xf32>,
        %mul3A_237 = arith.constant 256 : i32
        %mul3A_238 = arith.muli %add3A_83, %mul3A_237 : i32
        %mul3A_239 = arith.constant 8 : i32
        %mul3A_240 = vector.broadcast %mul3A_239 : i32 to vector<16xi32>
        %mul3A_241 = arith.muli %iota3A, %mul3A_240 : vector<16xi32>
        %add3A_242 = vector.broadcast %mul3A_238 : i32 to vector<16xi32>
        %add3A_243 = arith.addi %add3A_242, %mul3A_241 : vector<16xi32>
        %add3A_244 = arith.constant 128 : i32
        %add3A_245 = vector.broadcast %add3A_244 : i32 to vector<16xi32>
        %add3A_246 = arith.addi %add3A_243, %add3A_245 : vector<16xi32>
        %sub3A_247 = arith.subf %gather3A_231, %broadcast_in_dim3A_216 : vector<16xf32>
        %add3A_248 = arith.constant 0 : i32
        %add3A_249 = vector.broadcast %add3A_248 : i32 to vector<16xi32>
        %add3A_250 = arith.addi %add3A_243, %add3A_249 : vector<16xi32>
        tpu.vector_store_idx %arg18[%add3A_250], %sub3A_247 : memref<38400xf32, #tpu.memory_space<vmem>>[vector<16xi32>], vector<16xf32>,
        %sub3A_251 = arith.subf %gather3A_232, %broadcast_in_dim3A_217 : vector<16xf32>
        %add3A_252 = arith.constant 1 : i32
        %add3A_253 = vector.broadcast %add3A_252 : i32 to vector<16xi32>
        %add3A_254 = arith.addi %add3A_243, %add3A_253 : vector<16xi32>
        tpu.vector_store_idx %arg18[%add3A_254], %sub3A_251 : memref<38400xf32, #tpu.memory_space<vmem>>[vector<16xi32>], vector<16xf32>,
        %sub3A_255 = arith.subf %gather3A_233, %broadcast_in_dim3A_218 : vector<16xf32>
        %add3A_256 = arith.constant 2 : i32
        %add3A_257 = vector.broadcast %add3A_256 : i32 to vector<16xi32>
        %add3A_258 = arith.addi %add3A_243, %add3A_257 : vector<16xi32>
        tpu.vector_store_idx %arg18[%add3A_258], %sub3A_255 : memref<38400xf32, #tpu.memory_space<vmem>>[vector<16xi32>], vector<16xf32>,
        %add3A_259 = arith.constant 3 : i32
        %add3A_260 = vector.broadcast %add3A_259 : i32 to vector<16xi32>
        %add3A_261 = arith.addi %add3A_243, %add3A_260 : vector<16xi32>
        tpu.vector_store_idx %arg18[%add3A_261], %gather3A_231 : memref<38400xf32, #tpu.memory_space<vmem>>[vector<16xi32>], vector<16xf32>,
        %add3A_262 = arith.constant 4 : i32
        %add3A_263 = vector.broadcast %add3A_262 : i32 to vector<16xi32>
        %add3A_264 = arith.addi %add3A_243, %add3A_263 : vector<16xi32>
        tpu.vector_store_idx %arg18[%add3A_264], %gather3A_232 : memref<38400xf32, #tpu.memory_space<vmem>>[vector<16xi32>], vector<16xf32>,
        %add3A_265 = arith.constant 5 : i32
        %add3A_266 = vector.broadcast %add3A_265 : i32 to vector<16xi32>
        %add3A_267 = arith.addi %add3A_243, %add3A_266 : vector<16xi32>
        tpu.vector_store_idx %arg18[%add3A_267], %gather3A_233 : memref<38400xf32, #tpu.memory_space<vmem>>[vector<16xi32>], vector<16xf32>,
        %sub3A_268 = arith.subf %gather3A_234, %broadcast_in_dim3A_216 : vector<16xf32>
        %add3A_269 = arith.constant 0 : i32
        %add3A_270 = vector.broadcast %add3A_269 : i32 to vector<16xi32>
        %add3A_271 = arith.addi %add3A_246, %add3A_270 : vector<16xi32>
        tpu.vector_store_idx %arg18[%add3A_271], %sub3A_268 : memref<38400xf32, #tpu.memory_space<vmem>>[vector<16xi32>], vector<16xf32>,
        %sub3A_272 = arith.subf %gather3A_235, %broadcast_in_dim3A_217 : vector<16xf32>
        %add3A_273 = arith.constant 1 : i32
        %add3A_274 = vector.broadcast %add3A_273 : i32 to vector<16xi32>
        %add3A_275 = arith.addi %add3A_246, %add3A_274 : vector<16xi32>
        tpu.vector_store_idx %arg18[%add3A_275], %sub3A_272 : memref<38400xf32, #tpu.memory_space<vmem>>[vector<16xi32>], vector<16xf32>,
        %sub3A_276 = arith.subf %gather3A_236, %broadcast_in_dim3A_218 : vector<16xf32>
        %add3A_277 = arith.constant 2 : i32
        %add3A_278 = vector.broadcast %add3A_277 : i32 to vector<16xi32>
        %add3A_279 = arith.addi %add3A_246, %add3A_278 : vector<16xi32>
        tpu.vector_store_idx %arg18[%add3A_279], %sub3A_276 : memref<38400xf32, #tpu.memory_space<vmem>>[vector<16xi32>], vector<16xf32>,
        %add3A_280 = arith.constant 3 : i32
        %add3A_281 = vector.broadcast %add3A_280 : i32 to vector<16xi32>
        %add3A_282 = arith.addi %add3A_246, %add3A_281 : vector<16xi32>
        tpu.vector_store_idx %arg18[%add3A_282], %gather3A_234 : memref<38400xf32, #tpu.memory_space<vmem>>[vector<16xi32>], vector<16xf32>,
        %add3A_283 = arith.constant 4 : i32
        %add3A_284 = vector.broadcast %add3A_283 : i32 to vector<16xi32>
        %add3A_285 = arith.addi %add3A_246, %add3A_284 : vector<16xi32>
        tpu.vector_store_idx %arg18[%add3A_285], %gather3A_235 : memref<38400xf32, #tpu.memory_space<vmem>>[vector<16xi32>], vector<16xf32>,
        %add3A_286 = arith.constant 5 : i32
        %add3A_287 = vector.broadcast %add3A_286 : i32 to vector<16xi32>
        %add3A_288 = arith.addi %add3A_246, %add3A_287 : vector<16xi32>
        tpu.vector_store_idx %arg18[%add3A_288], %gather3A_236 : memref<38400xf32, #tpu.memory_space<vmem>>[vector<16xi32>], vector<16xf32>,
        %broadcast_in_dim3A_289 = arith.constant 0.000000e+00 : f32
        %broadcast_in_dim3A_290 = vector.broadcast %broadcast_in_dim3A_289 : f32 to vector<16xf32>
        %add3A_291 = arith.constant 6 : i32
        %add3A_292 = vector.broadcast %add3A_291 : i32 to vector<16xi32>
        %add3A_293 = arith.addi %add3A_243, %add3A_292 : vector<16xi32>
        tpu.vector_store_idx %arg18[%add3A_293], %broadcast_in_dim3A_290 : memref<38400xf32, #tpu.memory_space<vmem>>[vector<16xi32>], vector<16xf32>,
        %add3A_294 = arith.constant 7 : i32
        %add3A_295 = vector.broadcast %add3A_294 : i32 to vector<16xi32>
        %add3A_296 = arith.addi %add3A_243, %add3A_295 : vector<16xi32>
        tpu.vector_store_idx %arg18[%add3A_296], %broadcast_in_dim3A_290 : memref<38400xf32, #tpu.memory_space<vmem>>[vector<16xi32>], vector<16xf32>,
        %add3A_297 = arith.constant 6 : i32
        %add3A_298 = vector.broadcast %add3A_297 : i32 to vector<16xi32>
        %add3A_299 = arith.addi %add3A_246, %add3A_298 : vector<16xi32>
        tpu.vector_store_idx %arg18[%add3A_299], %broadcast_in_dim3A_290 : memref<38400xf32, #tpu.memory_space<vmem>>[vector<16xi32>], vector<16xf32>,
        %add3A_300 = arith.constant 7 : i32
        %add3A_301 = vector.broadcast %add3A_300 : i32 to vector<16xi32>
        %add3A_302 = arith.addi %add3A_246, %add3A_301 : vector<16xi32>
        tpu.vector_store_idx %arg18[%add3A_302], %broadcast_in_dim3A_290 : memref<38400xf32, #tpu.memory_space<vmem>>[vector<16xi32>], vector<16xf32>,
        %add3A_303 = arith.constant 2 : i32
        %add3A_304 = arith.addi %add3A_83, %add3A_303 : i32
        %min3A_305 = arith.constant 149 : i32
        %min3A_306 = arith.minsi %add3A_304, %min3A_305 : i32
        %add3A_307 = arith.addi %add3A_46, %min3A_306 : i32
        %mul3A_308 = arith.constant 3600 : i32
        %mul3A_309 = arith.muli %add3A_307, %mul3A_308 : i32
        %dma_start3A_310 = tpu.memref_slice %arg2[%mul3A_309] : memref<103680000xf32, #tpu.memory_space<hbm>> -> memref<3600xf32, #tpu.memory_space<hbm>>
        %dma_start3A_311 = tpu.memref_slice %arg2[%mul3A_309] : memref<103680000xf32, #tpu.memory_space<hbm>> -> memref<3600xf32, #tpu.memory_space<hbm>>
        tpu.enqueue_dma source(%dma_start3A_311 : memref<3600xf32, #tpu.memory_space<hbm>>) target(%arg17 : memref<3600xf32, #tpu.memory_space<vmem>>) target_semaphore(%arg20 : memref<!tpu.dma_semaphore, #tpu.memory_space<semaphore_mem>>)
      }
      %scan3A_63 = arith.constant 75 : i32
      %add3A_64 = arith.constant 148 : i32
      %add3A_65 = arith.addi %add3A_46, %add3A_64 : i32
      %mul3A_66 = arith.constant 3600 : i32
      %mul3A_67 = arith.muli %add3A_65, %mul3A_66 : i32
      %dma_wait3A = tpu.memref_slice %arg2[%mul3A_67] : memref<103680000xf32, #tpu.memory_space<hbm>> -> memref<3600xf32, #tpu.memory_space<hbm>>
      %dma_wait3A_68 = tpu.memref_slice %arg2[%mul3A_67] : memref<103680000xf32, #tpu.memory_space<hbm>> -> memref<3600xf32, #tpu.memory_space<hbm>>
      tpu.wait_dma2 semaphore(%arg19 : memref<!tpu.dma_semaphore, #tpu.memory_space<semaphore_mem>>) src(%dma_wait3A_68 : memref<3600xf32, #tpu.memory_space<hbm>>) dst(%arg16 : memref<3600xf32, #tpu.memory_space<vmem>>)
      %add3A_69 = arith.constant 149 : i32
      %add3A_70 = arith.addi %add3A_46, %add3A_69 : i32
      %mul3A_71 = arith.constant 3600 : i32
      %mul3A_72 = arith.muli %add3A_70, %mul3A_71 : i32
      %dma_wait3A_73 = tpu.memref_slice %arg2[%mul3A_72] : memref<103680000xf32, #tpu.memory_space<hbm>> -> memref<3600xf32, #tpu.memory_space<hbm>>
      %dma_wait3A_74 = tpu.memref_slice %arg2[%mul3A_72] : memref<103680000xf32, #tpu.memory_space<hbm>> -> memref<3600xf32, #tpu.memory_space<hbm>>
      tpu.wait_dma2 semaphore(%arg20 : memref<!tpu.dma_semaphore, #tpu.memory_space<semaphore_mem>>) src(%dma_wait3A_74 : memref<3600xf32, #tpu.memory_space<hbm>>) dst(%arg17 : memref<3600xf32, #tpu.memory_space<vmem>>)
      %mul3A_75 = arith.constant 256 : i32
      %mul3A_76 = arith.muli %add3A_46, %mul3A_75 : i32
      "tpu.region"() ({
        %run_scoped3A = tpu.sem_alloc : memref<!tpu.dma_semaphore, #tpu.memory_space<semaphore_mem>>
        %dma_start3A_77 = tpu.memref_slice %arg9[%mul3A_76] : memref<7372800xf32, #tpu.memory_space<hbm>> -> memref<38400xf32, #tpu.memory_space<hbm>>
        %dma_start3A_78 = tpu.memref_slice %arg9[%mul3A_76] : memref<7372800xf32, #tpu.memory_space<hbm>> -> memref<38400xf32, #tpu.memory_space<hbm>>
        tpu.enqueue_dma source(%arg18 : memref<38400xf32, #tpu.memory_space<vmem>>) target(%dma_start3A_78 : memref<38400xf32, #tpu.memory_space<hbm>>) target_semaphore(%run_scoped3A : memref<!tpu.dma_semaphore, #tpu.memory_space<semaphore_mem>>)
        %dma_wait3A_79 = tpu.memref_slice %arg9[%mul3A_76] : memref<7372800xf32, #tpu.memory_space<hbm>> -> memref<38400xf32, #tpu.memory_space<hbm>>
        %dma_wait3A_80 = tpu.memref_slice %arg9[%mul3A_76] : memref<7372800xf32, #tpu.memory_space<hbm>> -> memref<38400xf32, #tpu.memory_space<hbm>>
        tpu.wait_dma2 semaphore(%run_scoped3A : memref<!tpu.dma_semaphore, #tpu.memory_space<semaphore_mem>>) src(%arg18 : memref<38400xf32, #tpu.memory_space<vmem>>) dst(%dma_wait3A_80 : memref<38400xf32, #tpu.memory_space<hbm>>)
        tpu.yield
      }) : () -> ()
    }
    %scan3A_40 = arith.constant 6 : i32
    return
  }
}

module attributes {stable_mosaic.version = 14 : i64} {
  func.func @_d2_body(%arg0: i32, %arg1: i32, %arg2: memref<1x720x3xf32, #tpu.memory_space<vmem>>, %arg3: memref<1x3600x3xf32, #tpu.memory_space<vmem>>, %arg4: memref<1x720x3600xf32, #tpu.memory_space<vmem>>) attributes {dimension_semantics = [#tpu.dimension_semantics<arbitrary>, #tpu.dimension_semantics<arbitrary>], iteration_bounds = array<i64: 8, 5>, scalar_prefetch = 0 : i64, scratch_operands = 0 : i64, tpu.core_type = #tpu.core_type<tc>, window_params = [{transform_indices = @transform_0, window_bounds = array<i64: 1, 720, 3>}, {transform_indices = @transform_1, window_bounds = array<i64: 1, 3600, 3>}, {transform_indices = @transform_2, window_bounds = array<i64: 1, 720, 3600>}]} {
    %get3A = arith.constant 0 : index
    %get3A_0 = arith.constant 0 : index
    %get3A_1 = arith.constant 0 : index
    %get3A_2 = vector.load %arg2[%get3A, %get3A_0, %get3A_1] : memref<1x720x3xf32, #tpu.memory_space<vmem>>, vector<1x720x3xf32>
    %get3A_3 = vector.shape_cast %get3A_2 : vector<1x720x3xf32> to vector<720x3xf32>
    %get3A_4 = arith.constant 0 : index
    %get3A_5 = arith.constant 0 : index
    %get3A_6 = arith.constant 0 : index
    %get3A_7 = vector.load %arg3[%get3A_4, %get3A_5, %get3A_6] : memref<1x3600x3xf32, #tpu.memory_space<vmem>>, vector<1x3600x3xf32>
    %get3A_8 = vector.shape_cast %get3A_7 : vector<1x3600x3xf32> to vector<3600x3xf32>
    %mul3A = arith.mulf %get3A_3, %get3A_3 : vector<720x3xf32>
    %reduce_sum3A = arith.constant dense<0.000000e+00> : vector<720xf32>
    %reduce_sum3A_9 = vector.multi_reduction <add>, %mul3A, %reduce_sum3A [1] : vector<720x3xf32> to vector<720xf32>
    %broadcast_in_dim3A = vector.shape_cast %reduce_sum3A_9 : vector<720xf32> to vector<720x1xf32>
    %mul3A_10 = arith.mulf %get3A_8, %get3A_8 : vector<3600x3xf32>
    %reduce_sum3A_11 = arith.constant dense<0.000000e+00> : vector<3600xf32>
    %reduce_sum3A_12 = vector.multi_reduction <add>, %mul3A_10, %reduce_sum3A_11 [1] : vector<3600x3xf32> to vector<3600xf32>
    %broadcast_in_dim3A_13 = vector.shape_cast %reduce_sum3A_12 : vector<3600xf32> to vector<1x3600xf32>
    %transpose3A = tpu.transpose %get3A_8, [1, 0] : vector<3600x3xf32> -> vector<3x3600xf32>
    %dot_general3A = arith.constant dense<0.000000e+00> : vector<720x3600xf32>
    %dot_general3A_14 = tpu.matmul %get3A_3, %transpose3A, %dot_general3A {dimension_numbers = #tpu.dot_dimension_numbers<[1], [0], [0], [1], [0, 0, 1, 1], [], []>, transpose_lhs_hint = false} : vector<720x3xf32>, vector<3x3600xf32>, vector<720x3600xf32> -> vector<720x3600xf32>
    %mul3A_15 = arith.constant 2.000000e+00 : f32
    %mul3A_16 = vector.broadcast %mul3A_15 : f32 to vector<720x3600xf32>
    %mul3A_17 = arith.mulf %mul3A_16, %dot_general3A_14 : vector<720x3600xf32>
    %sub3A = vector.broadcast %broadcast_in_dim3A : vector<720x1xf32> to vector<720x3600xf32>
    %sub3A_18 = arith.subf %sub3A, %mul3A_17 : vector<720x3600xf32>
    %add3A = vector.broadcast %broadcast_in_dim3A_13 : vector<1x3600xf32> to vector<720x3600xf32>
    %add3A_19 = arith.addf %sub3A_18, %add3A : vector<720x3600xf32>
    %swap3A = arith.constant 0 : index
    %swap3A_20 = arith.constant 0 : index
    %swap3A_21 = arith.constant 0 : index
    %swap3A_22 = vector.load %arg4[%swap3A, %swap3A_20, %swap3A_21] : memref<1x720x3600xf32, #tpu.memory_space<vmem>>, vector<1x720x3600xf32>
    %swap3A_23 = vector.shape_cast %swap3A_22 : vector<1x720x3600xf32> to vector<720x3600xf32>
    %swap3A_24 = vector.shape_cast %add3A_19 : vector<720x3600xf32> to vector<1x720x3600xf32>
    tpu.vector_store %arg4[%swap3A, %swap3A_20, %swap3A_21], %swap3A_24 {strides = array<i32>} : memref<1x720x3600xf32, #tpu.memory_space<vmem>>, vector<1x720x3600xf32>,
    return
  }
  func.func @transform_0(%arg0: i32, %arg1: i32) -> (i32, i32, i32) {
    %c0_i32 = arith.constant 0 : i32
    %c0_i32_0 = arith.constant 0 : i32
    return %arg0, %arg1, %c0_i32 : i32, i32, i32
  }
  func.func @transform_1(%arg0: i32, %arg1: i32) -> (i32, i32, i32) {
    %c0_i32 = arith.constant 0 : i32
    %c0_i32_0 = arith.constant 0 : i32
    %c0_i32_1 = arith.constant 0 : i32
    return %arg0, %c0_i32, %c0_i32_0 : i32, i32, i32
  }
  func.func @transform_2(%arg0: i32, %arg1: i32) -> (i32, i32, i32) {
    %c0_i32 = arith.constant 0 : i32
    %c0_i32_0 = arith.constant 0 : i32
    return %arg0, %arg1, %c0_i32 : i32, i32, i32
  }
}

module attributes {stable_mosaic.version = 14 : i64} {
  func.func @_mlp_body(%arg0: i32, %arg1: memref<960x256xf32, #tpu.memory_space<vmem>>, %arg2: memref<8x128xf32, #tpu.memory_space<vmem>>, %arg3: memref<128x64xf32, #tpu.memory_space<vmem>>, %arg4: memref<960x64xf32, #tpu.memory_space<vmem>>) attributes {dimension_semantics = [#tpu.dimension_semantics<arbitrary>], iteration_bounds = array<i64: 30>, scalar_prefetch = 0 : i64, scratch_operands = 0 : i64, tpu.core_type = #tpu.core_type<tc>, window_params = [{transform_indices = @transform_0, window_bounds = array<i64: 960, 256>}, {pipeline_mode = #tpu.pipeline_mode<synchronous>, transform_indices = @transform_1, window_bounds = array<i64: 8, 128>}, {pipeline_mode = #tpu.pipeline_mode<synchronous>, transform_indices = @transform_2, window_bounds = array<i64: 128, 64>}, {transform_indices = @transform_3, window_bounds = array<i64: 960, 64>}]} {
    %get3A = arith.constant 0 : index
    %get3A_0 = arith.constant 0 : index
    %get3A_1 = vector.load %arg1[%get3A, %get3A_0] : memref<960x256xf32, #tpu.memory_space<vmem>>, vector<960x256xf32>
    %get3A_2 = arith.constant 0 : index
    %get3A_3 = arith.constant 0 : index
    %get3A_4 = vector.load %arg2[%get3A_2, %get3A_3] : memref<8x128xf32, #tpu.memory_space<vmem>>, vector<8x128xf32>
    %get3A_5 = arith.constant 0 : index
    %get3A_6 = arith.constant 0 : index
    %get3A_7 = vector.load %arg3[%get3A_5, %get3A_6] : memref<128x64xf32, #tpu.memory_space<vmem>>, vector<128x64xf32>
    %broadcast_in_dim3A = arith.constant 0xFF800000 : f32
    %broadcast_in_dim3A_8 = vector.broadcast %broadcast_in_dim3A : f32 to vector<960x64xf32>
    %slice3A = vector.extract_strided_slice %get3A_1 {offsets = [0, 0], sizes = [960, 8], strides = [1, 1]} : vector<960x256xf32> to vector<960x8xf32>
    %dot_general3A = arith.constant dense<0.000000e+00> : vector<960x128xf32>
    %dot_general3A_9 = tpu.matmul %slice3A, %get3A_4, %dot_general3A {dimension_numbers = #tpu.dot_dimension_numbers<[1], [0], [0], [1], [0, 0, 1, 1], [], []>, transpose_lhs_hint = false} : vector<960x8xf32>, vector<8x128xf32>, vector<960x128xf32> -> vector<960x128xf32>
    %max3A = arith.constant 0.000000e+00 : f32
    %max3A_10 = vector.broadcast %max3A : f32 to vector<960x128xf32>
    %max3A_11 = arith.maximumf %dot_general3A_9, %max3A_10 : vector<960x128xf32>
    %dot_general3A_12 = arith.constant dense<0.000000e+00> : vector<960x64xf32>
    %dot_general3A_13 = tpu.matmul %max3A_11, %get3A_7, %dot_general3A_12 {dimension_numbers = #tpu.dot_dimension_numbers<[1], [0], [0], [1], [0, 0, 1, 1], [], []>, transpose_lhs_hint = false} : vector<960x128xf32>, vector<128x64xf32>, vector<960x64xf32> -> vector<960x64xf32>
    %max3A_14 = arith.constant 0.000000e+00 : f32
    %max3A_15 = vector.broadcast %max3A_14 : f32 to vector<960x64xf32>
    %max3A_16 = arith.maximumf %dot_general3A_13, %max3A_15 : vector<960x64xf32>
    %max3A_17 = arith.maximumf %broadcast_in_dim3A_8, %max3A_16 : vector<960x64xf32>
    %slice3A_18 = vector.extract_strided_slice %get3A_1 {offsets = [0, 8], sizes = [960, 8], strides = [1, 1]} : vector<960x256xf32> to vector<960x8xf32>
    %dot_general3A_19 = arith.constant dense<0.000000e+00> : vector<960x128xf32>
    %dot_general3A_20 = tpu.matmul %slice3A_18, %get3A_4, %dot_general3A_19 {dimension_numbers = #tpu.dot_dimension_numbers<[1], [0], [0], [1], [0, 0, 1, 1], [], []>, transpose_lhs_hint = false} : vector<960x8xf32>, vector<8x128xf32>, vector<960x128xf32> -> vector<960x128xf32>
    %max3A_21 = arith.constant 0.000000e+00 : f32
    %max3A_22 = vector.broadcast %max3A_21 : f32 to vector<960x128xf32>
    %max3A_23 = arith.maximumf %dot_general3A_20, %max3A_22 : vector<960x128xf32>
    %dot_general3A_24 = arith.constant dense<0.000000e+00> : vector<960x64xf32>
    %dot_general3A_25 = tpu.matmul %max3A_23, %get3A_7, %dot_general3A_24 {dimension_numbers = #tpu.dot_dimension_numbers<[1], [0], [0], [1], [0, 0, 1, 1], [], []>, transpose_lhs_hint = false} : vector<960x128xf32>, vector<128x64xf32>, vector<960x64xf32> -> vector<960x64xf32>
    %max3A_26 = arith.constant 0.000000e+00 : f32
    %max3A_27 = vector.broadcast %max3A_26 : f32 to vector<960x64xf32>
    %max3A_28 = arith.maximumf %dot_general3A_25, %max3A_27 : vector<960x64xf32>
    %max3A_29 = arith.maximumf %max3A_17, %max3A_28 : vector<960x64xf32>
    %slice3A_30 = vector.extract_strided_slice %get3A_1 {offsets = [0, 16], sizes = [960, 8], strides = [1, 1]} : vector<960x256xf32> to vector<960x8xf32>
    %dot_general3A_31 = arith.constant dense<0.000000e+00> : vector<960x128xf32>
    %dot_general3A_32 = tpu.matmul %slice3A_30, %get3A_4, %dot_general3A_31 {dimension_numbers = #tpu.dot_dimension_numbers<[1], [0], [0], [1], [0, 0, 1, 1], [], []>, transpose_lhs_hint = false} : vector<960x8xf32>, vector<8x128xf32>, vector<960x128xf32> -> vector<960x128xf32>
    %max3A_33 = arith.constant 0.000000e+00 : f32
    %max3A_34 = vector.broadcast %max3A_33 : f32 to vector<960x128xf32>
    %max3A_35 = arith.maximumf %dot_general3A_32, %max3A_34 : vector<960x128xf32>
    %dot_general3A_36 = arith.constant dense<0.000000e+00> : vector<960x64xf32>
    %dot_general3A_37 = tpu.matmul %max3A_35, %get3A_7, %dot_general3A_36 {dimension_numbers = #tpu.dot_dimension_numbers<[1], [0], [0], [1], [0, 0, 1, 1], [], []>, transpose_lhs_hint = false} : vector<960x128xf32>, vector<128x64xf32>, vector<960x64xf32> -> vector<960x64xf32>
    %max3A_38 = arith.constant 0.000000e+00 : f32
    %max3A_39 = vector.broadcast %max3A_38 : f32 to vector<960x64xf32>
    %max3A_40 = arith.maximumf %dot_general3A_37, %max3A_39 : vector<960x64xf32>
    %max3A_41 = arith.maximumf %max3A_29, %max3A_40 : vector<960x64xf32>
    %slice3A_42 = vector.extract_strided_slice %get3A_1 {offsets = [0, 24], sizes = [960, 8], strides = [1, 1]} : vector<960x256xf32> to vector<960x8xf32>
    %dot_general3A_43 = arith.constant dense<0.000000e+00> : vector<960x128xf32>
    %dot_general3A_44 = tpu.matmul %slice3A_42, %get3A_4, %dot_general3A_43 {dimension_numbers = #tpu.dot_dimension_numbers<[1], [0], [0], [1], [0, 0, 1, 1], [], []>, transpose_lhs_hint = false} : vector<960x8xf32>, vector<8x128xf32>, vector<960x128xf32> -> vector<960x128xf32>
    %max3A_45 = arith.constant 0.000000e+00 : f32
    %max3A_46 = vector.broadcast %max3A_45 : f32 to vector<960x128xf32>
    %max3A_47 = arith.maximumf %dot_general3A_44, %max3A_46 : vector<960x128xf32>
    %dot_general3A_48 = arith.constant dense<0.000000e+00> : vector<960x64xf32>
    %dot_general3A_49 = tpu.matmul %max3A_47, %get3A_7, %dot_general3A_48 {dimension_numbers = #tpu.dot_dimension_numbers<[1], [0], [0], [1], [0, 0, 1, 1], [], []>, transpose_lhs_hint = false} : vector<960x128xf32>, vector<128x64xf32>, vector<960x64xf32> -> vector<960x64xf32>
    %max3A_50 = arith.constant 0.000000e+00 : f32
    %max3A_51 = vector.broadcast %max3A_50 : f32 to vector<960x64xf32>
    %max3A_52 = arith.maximumf %dot_general3A_49, %max3A_51 : vector<960x64xf32>
    %max3A_53 = arith.maximumf %max3A_41, %max3A_52 : vector<960x64xf32>
    %slice3A_54 = vector.extract_strided_slice %get3A_1 {offsets = [0, 32], sizes = [960, 8], strides = [1, 1]} : vector<960x256xf32> to vector<960x8xf32>
    %dot_general3A_55 = arith.constant dense<0.000000e+00> : vector<960x128xf32>
    %dot_general3A_56 = tpu.matmul %slice3A_54, %get3A_4, %dot_general3A_55 {dimension_numbers = #tpu.dot_dimension_numbers<[1], [0], [0], [1], [0, 0, 1, 1], [], []>, transpose_lhs_hint = false} : vector<960x8xf32>, vector<8x128xf32>, vector<960x128xf32> -> vector<960x128xf32>
    %max3A_57 = arith.constant 0.000000e+00 : f32
    %max3A_58 = vector.broadcast %max3A_57 : f32 to vector<960x128xf32>
    %max3A_59 = arith.maximumf %dot_general3A_56, %max3A_58 : vector<960x128xf32>
    %dot_general3A_60 = arith.constant dense<0.000000e+00> : vector<960x64xf32>
    %dot_general3A_61 = tpu.matmul %max3A_59, %get3A_7, %dot_general3A_60 {dimension_numbers = #tpu.dot_dimension_numbers<[1], [0], [0], [1], [0, 0, 1, 1], [], []>, transpose_lhs_hint = false} : vector<960x128xf32>, vector<128x64xf32>, vector<960x64xf32> -> vector<960x64xf32>
    %max3A_62 = arith.constant 0.000000e+00 : f32
    %max3A_63 = vector.broadcast %max3A_62 : f32 to vector<960x64xf32>
    %max3A_64 = arith.maximumf %dot_general3A_61, %max3A_63 : vector<960x64xf32>
    %max3A_65 = arith.maximumf %max3A_53, %max3A_64 : vector<960x64xf32>
    %slice3A_66 = vector.extract_strided_slice %get3A_1 {offsets = [0, 40], sizes = [960, 8], strides = [1, 1]} : vector<960x256xf32> to vector<960x8xf32>
    %dot_general3A_67 = arith.constant dense<0.000000e+00> : vector<960x128xf32>
    %dot_general3A_68 = tpu.matmul %slice3A_66, %get3A_4, %dot_general3A_67 {dimension_numbers = #tpu.dot_dimension_numbers<[1], [0], [0], [1], [0, 0, 1, 1], [], []>, transpose_lhs_hint = false} : vector<960x8xf32>, vector<8x128xf32>, vector<960x128xf32> -> vector<960x128xf32>
    %max3A_69 = arith.constant 0.000000e+00 : f32
    %max3A_70 = vector.broadcast %max3A_69 : f32 to vector<960x128xf32>
    %max3A_71 = arith.maximumf %dot_general3A_68, %max3A_70 : vector<960x128xf32>
    %dot_general3A_72 = arith.constant dense<0.000000e+00> : vector<960x64xf32>
    %dot_general3A_73 = tpu.matmul %max3A_71, %get3A_7, %dot_general3A_72 {dimension_numbers = #tpu.dot_dimension_numbers<[1], [0], [0], [1], [0, 0, 1, 1], [], []>, transpose_lhs_hint = false} : vector<960x128xf32>, vector<128x64xf32>, vector<960x64xf32> -> vector<960x64xf32>
    %max3A_74 = arith.constant 0.000000e+00 : f32
    %max3A_75 = vector.broadcast %max3A_74 : f32 to vector<960x64xf32>
    %max3A_76 = arith.maximumf %dot_general3A_73, %max3A_75 : vector<960x64xf32>
    %max3A_77 = arith.maximumf %max3A_65, %max3A_76 : vector<960x64xf32>
    %slice3A_78 = vector.extract_strided_slice %get3A_1 {offsets = [0, 48], sizes = [960, 8], strides = [1, 1]} : vector<960x256xf32> to vector<960x8xf32>
    %dot_general3A_79 = arith.constant dense<0.000000e+00> : vector<960x128xf32>
    %dot_general3A_80 = tpu.matmul %slice3A_78, %get3A_4, %dot_general3A_79 {dimension_numbers = #tpu.dot_dimension_numbers<[1], [0], [0], [1], [0, 0, 1, 1], [], []>, transpose_lhs_hint = false} : vector<960x8xf32>, vector<8x128xf32>, vector<960x128xf32> -> vector<960x128xf32>
    %max3A_81 = arith.constant 0.000000e+00 : f32
    %max3A_82 = vector.broadcast %max3A_81 : f32 to vector<960x128xf32>
    %max3A_83 = arith.maximumf %dot_general3A_80, %max3A_82 : vector<960x128xf32>
    %dot_general3A_84 = arith.constant dense<0.000000e+00> : vector<960x64xf32>
    %dot_general3A_85 = tpu.matmul %max3A_83, %get3A_7, %dot_general3A_84 {dimension_numbers = #tpu.dot_dimension_numbers<[1], [0], [0], [1], [0, 0, 1, 1], [], []>, transpose_lhs_hint = false} : vector<960x128xf32>, vector<128x64xf32>, vector<960x64xf32> -> vector<960x64xf32>
    %max3A_86 = arith.constant 0.000000e+00 : f32
    %max3A_87 = vector.broadcast %max3A_86 : f32 to vector<960x64xf32>
    %max3A_88 = arith.maximumf %dot_general3A_85, %max3A_87 : vector<960x64xf32>
    %max3A_89 = arith.maximumf %max3A_77, %max3A_88 : vector<960x64xf32>
    %slice3A_90 = vector.extract_strided_slice %get3A_1 {offsets = [0, 56], sizes = [960, 8], strides = [1, 1]} : vector<960x256xf32> to vector<960x8xf32>
    %dot_general3A_91 = arith.constant dense<0.000000e+00> : vector<960x128xf32>
    %dot_general3A_92 = tpu.matmul %slice3A_90, %get3A_4, %dot_general3A_91 {dimension_numbers = #tpu.dot_dimension_numbers<[1], [0], [0], [1], [0, 0, 1, 1], [], []>, transpose_lhs_hint = false} : vector<960x8xf32>, vector<8x128xf32>, vector<960x128xf32> -> vector<960x128xf32>
    %max3A_93 = arith.constant 0.000000e+00 : f32
    %max3A_94 = vector.broadcast %max3A_93 : f32 to vector<960x128xf32>
    %max3A_95 = arith.maximumf %dot_general3A_92, %max3A_94 : vector<960x128xf32>
    %dot_general3A_96 = arith.constant dense<0.000000e+00> : vector<960x64xf32>
    %dot_general3A_97 = tpu.matmul %max3A_95, %get3A_7, %dot_general3A_96 {dimension_numbers = #tpu.dot_dimension_numbers<[1], [0], [0], [1], [0, 0, 1, 1], [], []>, transpose_lhs_hint = false} : vector<960x128xf32>, vector<128x64xf32>, vector<960x64xf32> -> vector<960x64xf32>
    %max3A_98 = arith.constant 0.000000e+00 : f32
    %max3A_99 = vector.broadcast %max3A_98 : f32 to vector<960x64xf32>
    %max3A_100 = arith.maximumf %dot_general3A_97, %max3A_99 : vector<960x64xf32>
    %max3A_101 = arith.maximumf %max3A_89, %max3A_100 : vector<960x64xf32>
    %slice3A_102 = vector.extract_strided_slice %get3A_1 {offsets = [0, 64], sizes = [960, 8], strides = [1, 1]} : vector<960x256xf32> to vector<960x8xf32>
    %dot_general3A_103 = arith.constant dense<0.000000e+00> : vector<960x128xf32>
    %dot_general3A_104 = tpu.matmul %slice3A_102, %get3A_4, %dot_general3A_103 {dimension_numbers = #tpu.dot_dimension_numbers<[1], [0], [0], [1], [0, 0, 1, 1], [], []>, transpose_lhs_hint = false} : vector<960x8xf32>, vector<8x128xf32>, vector<960x128xf32> -> vector<960x128xf32>
    %max3A_105 = arith.constant 0.000000e+00 : f32
    %max3A_106 = vector.broadcast %max3A_105 : f32 to vector<960x128xf32>
    %max3A_107 = arith.maximumf %dot_general3A_104, %max3A_106 : vector<960x128xf32>
    %dot_general3A_108 = arith.constant dense<0.000000e+00> : vector<960x64xf32>
    %dot_general3A_109 = tpu.matmul %max3A_107, %get3A_7, %dot_general3A_108 {dimension_numbers = #tpu.dot_dimension_numbers<[1], [0], [0], [1], [0, 0, 1, 1], [], []>, transpose_lhs_hint = false} : vector<960x128xf32>, vector<128x64xf32>, vector<960x64xf32> -> vector<960x64xf32>
    %max3A_110 = arith.constant 0.000000e+00 : f32
    %max3A_111 = vector.broadcast %max3A_110 : f32 to vector<960x64xf32>
    %max3A_112 = arith.maximumf %dot_general3A_109, %max3A_111 : vector<960x64xf32>
    %max3A_113 = arith.maximumf %max3A_101, %max3A_112 : vector<960x64xf32>
    %slice3A_114 = vector.extract_strided_slice %get3A_1 {offsets = [0, 72], sizes = [960, 8], strides = [1, 1]} : vector<960x256xf32> to vector<960x8xf32>
    %dot_general3A_115 = arith.constant dense<0.000000e+00> : vector<960x128xf32>
    %dot_general3A_116 = tpu.matmul %slice3A_114, %get3A_4, %dot_general3A_115 {dimension_numbers = #tpu.dot_dimension_numbers<[1], [0], [0], [1], [0, 0, 1, 1], [], []>, transpose_lhs_hint = false} : vector<960x8xf32>, vector<8x128xf32>, vector<960x128xf32> -> vector<960x128xf32>
    %max3A_117 = arith.constant 0.000000e+00 : f32
    %max3A_118 = vector.broadcast %max3A_117 : f32 to vector<960x128xf32>
    %max3A_119 = arith.maximumf %dot_general3A_116, %max3A_118 : vector<960x128xf32>
    %dot_general3A_120 = arith.constant dense<0.000000e+00> : vector<960x64xf32>
    %dot_general3A_121 = tpu.matmul %max3A_119, %get3A_7, %dot_general3A_120 {dimension_numbers = #tpu.dot_dimension_numbers<[1], [0], [0], [1], [0, 0, 1, 1], [], []>, transpose_lhs_hint = false} : vector<960x128xf32>, vector<128x64xf32>, vector<960x64xf32> -> vector<960x64xf32>
    %max3A_122 = arith.constant 0.000000e+00 : f32
    %max3A_123 = vector.broadcast %max3A_122 : f32 to vector<960x64xf32>
    %max3A_124 = arith.maximumf %dot_general3A_121, %max3A_123 : vector<960x64xf32>
    %max3A_125 = arith.maximumf %max3A_113, %max3A_124 : vector<960x64xf32>
    %slice3A_126 = vector.extract_strided_slice %get3A_1 {offsets = [0, 80], sizes = [960, 8], strides = [1, 1]} : vector<960x256xf32> to vector<960x8xf32>
    %dot_general3A_127 = arith.constant dense<0.000000e+00> : vector<960x128xf32>
    %dot_general3A_128 = tpu.matmul %slice3A_126, %get3A_4, %dot_general3A_127 {dimension_numbers = #tpu.dot_dimension_numbers<[1], [0], [0], [1], [0, 0, 1, 1], [], []>, transpose_lhs_hint = false} : vector<960x8xf32>, vector<8x128xf32>, vector<960x128xf32> -> vector<960x128xf32>
    %max3A_129 = arith.constant 0.000000e+00 : f32
    %max3A_130 = vector.broadcast %max3A_129 : f32 to vector<960x128xf32>
    %max3A_131 = arith.maximumf %dot_general3A_128, %max3A_130 : vector<960x128xf32>
    %dot_general3A_132 = arith.constant dense<0.000000e+00> : vector<960x64xf32>
    %dot_general3A_133 = tpu.matmul %max3A_131, %get3A_7, %dot_general3A_132 {dimension_numbers = #tpu.dot_dimension_numbers<[1], [0], [0], [1], [0, 0, 1, 1], [], []>, transpose_lhs_hint = false} : vector<960x128xf32>, vector<128x64xf32>, vector<960x64xf32> -> vector<960x64xf32>
    %max3A_134 = arith.constant 0.000000e+00 : f32
    %max3A_135 = vector.broadcast %max3A_134 : f32 to vector<960x64xf32>
    %max3A_136 = arith.maximumf %dot_general3A_133, %max3A_135 : vector<960x64xf32>
    %max3A_137 = arith.maximumf %max3A_125, %max3A_136 : vector<960x64xf32>
    %slice3A_138 = vector.extract_strided_slice %get3A_1 {offsets = [0, 88], sizes = [960, 8], strides = [1, 1]} : vector<960x256xf32> to vector<960x8xf32>
    %dot_general3A_139 = arith.constant dense<0.000000e+00> : vector<960x128xf32>
    %dot_general3A_140 = tpu.matmul %slice3A_138, %get3A_4, %dot_general3A_139 {dimension_numbers = #tpu.dot_dimension_numbers<[1], [0], [0], [1], [0, 0, 1, 1], [], []>, transpose_lhs_hint = false} : vector<960x8xf32>, vector<8x128xf32>, vector<960x128xf32> -> vector<960x128xf32>
    %max3A_141 = arith.constant 0.000000e+00 : f32
    %max3A_142 = vector.broadcast %max3A_141 : f32 to vector<960x128xf32>
    %max3A_143 = arith.maximumf %dot_general3A_140, %max3A_142 : vector<960x128xf32>
    %dot_general3A_144 = arith.constant dense<0.000000e+00> : vector<960x64xf32>
    %dot_general3A_145 = tpu.matmul %max3A_143, %get3A_7, %dot_general3A_144 {dimension_numbers = #tpu.dot_dimension_numbers<[1], [0], [0], [1], [0, 0, 1, 1], [], []>, transpose_lhs_hint = false} : vector<960x128xf32>, vector<128x64xf32>, vector<960x64xf32> -> vector<960x64xf32>
    %max3A_146 = arith.constant 0.000000e+00 : f32
    %max3A_147 = vector.broadcast %max3A_146 : f32 to vector<960x64xf32>
    %max3A_148 = arith.maximumf %dot_general3A_145, %max3A_147 : vector<960x64xf32>
    %max3A_149 = arith.maximumf %max3A_137, %max3A_148 : vector<960x64xf32>
    %slice3A_150 = vector.extract_strided_slice %get3A_1 {offsets = [0, 96], sizes = [960, 8], strides = [1, 1]} : vector<960x256xf32> to vector<960x8xf32>
    %dot_general3A_151 = arith.constant dense<0.000000e+00> : vector<960x128xf32>
    %dot_general3A_152 = tpu.matmul %slice3A_150, %get3A_4, %dot_general3A_151 {dimension_numbers = #tpu.dot_dimension_numbers<[1], [0], [0], [1], [0, 0, 1, 1], [], []>, transpose_lhs_hint = false} : vector<960x8xf32>, vector<8x128xf32>, vector<960x128xf32> -> vector<960x128xf32>
    %max3A_153 = arith.constant 0.000000e+00 : f32
    %max3A_154 = vector.broadcast %max3A_153 : f32 to vector<960x128xf32>
    %max3A_155 = arith.maximumf %dot_general3A_152, %max3A_154 : vector<960x128xf32>
    %dot_general3A_156 = arith.constant dense<0.000000e+00> : vector<960x64xf32>
    %dot_general3A_157 = tpu.matmul %max3A_155, %get3A_7, %dot_general3A_156 {dimension_numbers = #tpu.dot_dimension_numbers<[1], [0], [0], [1], [0, 0, 1, 1], [], []>, transpose_lhs_hint = false} : vector<960x128xf32>, vector<128x64xf32>, vector<960x64xf32> -> vector<960x64xf32>
    %max3A_158 = arith.constant 0.000000e+00 : f32
    %max3A_159 = vector.broadcast %max3A_158 : f32 to vector<960x64xf32>
    %max3A_160 = arith.maximumf %dot_general3A_157, %max3A_159 : vector<960x64xf32>
    %max3A_161 = arith.maximumf %max3A_149, %max3A_160 : vector<960x64xf32>
    %slice3A_162 = vector.extract_strided_slice %get3A_1 {offsets = [0, 104], sizes = [960, 8], strides = [1, 1]} : vector<960x256xf32> to vector<960x8xf32>
    %dot_general3A_163 = arith.constant dense<0.000000e+00> : vector<960x128xf32>
    %dot_general3A_164 = tpu.matmul %slice3A_162, %get3A_4, %dot_general3A_163 {dimension_numbers = #tpu.dot_dimension_numbers<[1], [0], [0], [1], [0, 0, 1, 1], [], []>, transpose_lhs_hint = false} : vector<960x8xf32>, vector<8x128xf32>, vector<960x128xf32> -> vector<960x128xf32>
    %max3A_165 = arith.constant 0.000000e+00 : f32
    %max3A_166 = vector.broadcast %max3A_165 : f32 to vector<960x128xf32>
    %max3A_167 = arith.maximumf %dot_general3A_164, %max3A_166 : vector<960x128xf32>
    %dot_general3A_168 = arith.constant dense<0.000000e+00> : vector<960x64xf32>
    %dot_general3A_169 = tpu.matmul %max3A_167, %get3A_7, %dot_general3A_168 {dimension_numbers = #tpu.dot_dimension_numbers<[1], [0], [0], [1], [0, 0, 1, 1], [], []>, transpose_lhs_hint = false} : vector<960x128xf32>, vector<128x64xf32>, vector<960x64xf32> -> vector<960x64xf32>
    %max3A_170 = arith.constant 0.000000e+00 : f32
    %max3A_171 = vector.broadcast %max3A_170 : f32 to vector<960x64xf32>
    %max3A_172 = arith.maximumf %dot_general3A_169, %max3A_171 : vector<960x64xf32>
    %max3A_173 = arith.maximumf %max3A_161, %max3A_172 : vector<960x64xf32>
    %slice3A_174 = vector.extract_strided_slice %get3A_1 {offsets = [0, 112], sizes = [960, 8], strides = [1, 1]} : vector<960x256xf32> to vector<960x8xf32>
    %dot_general3A_175 = arith.constant dense<0.000000e+00> : vector<960x128xf32>
    %dot_general3A_176 = tpu.matmul %slice3A_174, %get3A_4, %dot_general3A_175 {dimension_numbers = #tpu.dot_dimension_numbers<[1], [0], [0], [1], [0, 0, 1, 1], [], []>, transpose_lhs_hint = false} : vector<960x8xf32>, vector<8x128xf32>, vector<960x128xf32> -> vector<960x128xf32>
    %max3A_177 = arith.constant 0.000000e+00 : f32
    %max3A_178 = vector.broadcast %max3A_177 : f32 to vector<960x128xf32>
    %max3A_179 = arith.maximumf %dot_general3A_176, %max3A_178 : vector<960x128xf32>
    %dot_general3A_180 = arith.constant dense<0.000000e+00> : vector<960x64xf32>
    %dot_general3A_181 = tpu.matmul %max3A_179, %get3A_7, %dot_general3A_180 {dimension_numbers = #tpu.dot_dimension_numbers<[1], [0], [0], [1], [0, 0, 1, 1], [], []>, transpose_lhs_hint = false} : vector<960x128xf32>, vector<128x64xf32>, vector<960x64xf32> -> vector<960x64xf32>
    %max3A_182 = arith.constant 0.000000e+00 : f32
    %max3A_183 = vector.broadcast %max3A_182 : f32 to vector<960x64xf32>
    %max3A_184 = arith.maximumf %dot_general3A_181, %max3A_183 : vector<960x64xf32>
    %max3A_185 = arith.maximumf %max3A_173, %max3A_184 : vector<960x64xf32>
    %slice3A_186 = vector.extract_strided_slice %get3A_1 {offsets = [0, 120], sizes = [960, 8], strides = [1, 1]} : vector<960x256xf32> to vector<960x8xf32>
    %dot_general3A_187 = arith.constant dense<0.000000e+00> : vector<960x128xf32>
    %dot_general3A_188 = tpu.matmul %slice3A_186, %get3A_4, %dot_general3A_187 {dimension_numbers = #tpu.dot_dimension_numbers<[1], [0], [0], [1], [0, 0, 1, 1], [], []>, transpose_lhs_hint = false} : vector<960x8xf32>, vector<8x128xf32>, vector<960x128xf32> -> vector<960x128xf32>
    %max3A_189 = arith.constant 0.000000e+00 : f32
    %max3A_190 = vector.broadcast %max3A_189 : f32 to vector<960x128xf32>
    %max3A_191 = arith.maximumf %dot_general3A_188, %max3A_190 : vector<960x128xf32>
    %dot_general3A_192 = arith.constant dense<0.000000e+00> : vector<960x64xf32>
    %dot_general3A_193 = tpu.matmul %max3A_191, %get3A_7, %dot_general3A_192 {dimension_numbers = #tpu.dot_dimension_numbers<[1], [0], [0], [1], [0, 0, 1, 1], [], []>, transpose_lhs_hint = false} : vector<960x128xf32>, vector<128x64xf32>, vector<960x64xf32> -> vector<960x64xf32>
    %max3A_194 = arith.constant 0.000000e+00 : f32
    %max3A_195 = vector.broadcast %max3A_194 : f32 to vector<960x64xf32>
    %max3A_196 = arith.maximumf %dot_general3A_193, %max3A_195 : vector<960x64xf32>
    %max3A_197 = arith.maximumf %max3A_185, %max3A_196 : vector<960x64xf32>
    %slice3A_198 = vector.extract_strided_slice %get3A_1 {offsets = [0, 128], sizes = [960, 8], strides = [1, 1]} : vector<960x256xf32> to vector<960x8xf32>
    %dot_general3A_199 = arith.constant dense<0.000000e+00> : vector<960x128xf32>
    %dot_general3A_200 = tpu.matmul %slice3A_198, %get3A_4, %dot_general3A_199 {dimension_numbers = #tpu.dot_dimension_numbers<[1], [0], [0], [1], [0, 0, 1, 1], [], []>, transpose_lhs_hint = false} : vector<960x8xf32>, vector<8x128xf32>, vector<960x128xf32> -> vector<960x128xf32>
    %max3A_201 = arith.constant 0.000000e+00 : f32
    %max3A_202 = vector.broadcast %max3A_201 : f32 to vector<960x128xf32>
    %max3A_203 = arith.maximumf %dot_general3A_200, %max3A_202 : vector<960x128xf32>
    %dot_general3A_204 = arith.constant dense<0.000000e+00> : vector<960x64xf32>
    %dot_general3A_205 = tpu.matmul %max3A_203, %get3A_7, %dot_general3A_204 {dimension_numbers = #tpu.dot_dimension_numbers<[1], [0], [0], [1], [0, 0, 1, 1], [], []>, transpose_lhs_hint = false} : vector<960x128xf32>, vector<128x64xf32>, vector<960x64xf32> -> vector<960x64xf32>
    %max3A_206 = arith.constant 0.000000e+00 : f32
    %max3A_207 = vector.broadcast %max3A_206 : f32 to vector<960x64xf32>
    %max3A_208 = arith.maximumf %dot_general3A_205, %max3A_207 : vector<960x64xf32>
    %max3A_209 = arith.maximumf %max3A_197, %max3A_208 : vector<960x64xf32>
    %slice3A_210 = vector.extract_strided_slice %get3A_1 {offsets = [0, 136], sizes = [960, 8], strides = [1, 1]} : vector<960x256xf32> to vector<960x8xf32>
    %dot_general3A_211 = arith.constant dense<0.000000e+00> : vector<960x128xf32>
    %dot_general3A_212 = tpu.matmul %slice3A_210, %get3A_4, %dot_general3A_211 {dimension_numbers = #tpu.dot_dimension_numbers<[1], [0], [0], [1], [0, 0, 1, 1], [], []>, transpose_lhs_hint = false} : vector<960x8xf32>, vector<8x128xf32>, vector<960x128xf32> -> vector<960x128xf32>
    %max3A_213 = arith.constant 0.000000e+00 : f32
    %max3A_214 = vector.broadcast %max3A_213 : f32 to vector<960x128xf32>
    %max3A_215 = arith.maximumf %dot_general3A_212, %max3A_214 : vector<960x128xf32>
    %dot_general3A_216 = arith.constant dense<0.000000e+00> : vector<960x64xf32>
    %dot_general3A_217 = tpu.matmul %max3A_215, %get3A_7, %dot_general3A_216 {dimension_numbers = #tpu.dot_dimension_numbers<[1], [0], [0], [1], [0, 0, 1, 1], [], []>, transpose_lhs_hint = false} : vector<960x128xf32>, vector<128x64xf32>, vector<960x64xf32> -> vector<960x64xf32>
    %max3A_218 = arith.constant 0.000000e+00 : f32
    %max3A_219 = vector.broadcast %max3A_218 : f32 to vector<960x64xf32>
    %max3A_220 = arith.maximumf %dot_general3A_217, %max3A_219 : vector<960x64xf32>
    %max3A_221 = arith.maximumf %max3A_209, %max3A_220 : vector<960x64xf32>
    %slice3A_222 = vector.extract_strided_slice %get3A_1 {offsets = [0, 144], sizes = [960, 8], strides = [1, 1]} : vector<960x256xf32> to vector<960x8xf32>
    %dot_general3A_223 = arith.constant dense<0.000000e+00> : vector<960x128xf32>
    %dot_general3A_224 = tpu.matmul %slice3A_222, %get3A_4, %dot_general3A_223 {dimension_numbers = #tpu.dot_dimension_numbers<[1], [0], [0], [1], [0, 0, 1, 1], [], []>, transpose_lhs_hint = false} : vector<960x8xf32>, vector<8x128xf32>, vector<960x128xf32> -> vector<960x128xf32>
    %max3A_225 = arith.constant 0.000000e+00 : f32
    %max3A_226 = vector.broadcast %max3A_225 : f32 to vector<960x128xf32>
    %max3A_227 = arith.maximumf %dot_general3A_224, %max3A_226 : vector<960x128xf32>
    %dot_general3A_228 = arith.constant dense<0.000000e+00> : vector<960x64xf32>
    %dot_general3A_229 = tpu.matmul %max3A_227, %get3A_7, %dot_general3A_228 {dimension_numbers = #tpu.dot_dimension_numbers<[1], [0], [0], [1], [0, 0, 1, 1], [], []>, transpose_lhs_hint = false} : vector<960x128xf32>, vector<128x64xf32>, vector<960x64xf32> -> vector<960x64xf32>
    %max3A_230 = arith.constant 0.000000e+00 : f32
    %max3A_231 = vector.broadcast %max3A_230 : f32 to vector<960x64xf32>
    %max3A_232 = arith.maximumf %dot_general3A_229, %max3A_231 : vector<960x64xf32>
    %max3A_233 = arith.maximumf %max3A_221, %max3A_232 : vector<960x64xf32>
    %slice3A_234 = vector.extract_strided_slice %get3A_1 {offsets = [0, 152], sizes = [960, 8], strides = [1, 1]} : vector<960x256xf32> to vector<960x8xf32>
    %dot_general3A_235 = arith.constant dense<0.000000e+00> : vector<960x128xf32>
    %dot_general3A_236 = tpu.matmul %slice3A_234, %get3A_4, %dot_general3A_235 {dimension_numbers = #tpu.dot_dimension_numbers<[1], [0], [0], [1], [0, 0, 1, 1], [], []>, transpose_lhs_hint = false} : vector<960x8xf32>, vector<8x128xf32>, vector<960x128xf32> -> vector<960x128xf32>
    %max3A_237 = arith.constant 0.000000e+00 : f32
    %max3A_238 = vector.broadcast %max3A_237 : f32 to vector<960x128xf32>
    %max3A_239 = arith.maximumf %dot_general3A_236, %max3A_238 : vector<960x128xf32>
    %dot_general3A_240 = arith.constant dense<0.000000e+00> : vector<960x64xf32>
    %dot_general3A_241 = tpu.matmul %max3A_239, %get3A_7, %dot_general3A_240 {dimension_numbers = #tpu.dot_dimension_numbers<[1], [0], [0], [1], [0, 0, 1, 1], [], []>, transpose_lhs_hint = false} : vector<960x128xf32>, vector<128x64xf32>, vector<960x64xf32> -> vector<960x64xf32>
    %max3A_242 = arith.constant 0.000000e+00 : f32
    %max3A_243 = vector.broadcast %max3A_242 : f32 to vector<960x64xf32>
    %max3A_244 = arith.maximumf %dot_general3A_241, %max3A_243 : vector<960x64xf32>
    %max3A_245 = arith.maximumf %max3A_233, %max3A_244 : vector<960x64xf32>
    %slice3A_246 = vector.extract_strided_slice %get3A_1 {offsets = [0, 160], sizes = [960, 8], strides = [1, 1]} : vector<960x256xf32> to vector<960x8xf32>
    %dot_general3A_247 = arith.constant dense<0.000000e+00> : vector<960x128xf32>
    %dot_general3A_248 = tpu.matmul %slice3A_246, %get3A_4, %dot_general3A_247 {dimension_numbers = #tpu.dot_dimension_numbers<[1], [0], [0], [1], [0, 0, 1, 1], [], []>, transpose_lhs_hint = false} : vector<960x8xf32>, vector<8x128xf32>, vector<960x128xf32> -> vector<960x128xf32>
    %max3A_249 = arith.constant 0.000000e+00 : f32
    %max3A_250 = vector.broadcast %max3A_249 : f32 to vector<960x128xf32>
    %max3A_251 = arith.maximumf %dot_general3A_248, %max3A_250 : vector<960x128xf32>
    %dot_general3A_252 = arith.constant dense<0.000000e+00> : vector<960x64xf32>
    %dot_general3A_253 = tpu.matmul %max3A_251, %get3A_7, %dot_general3A_252 {dimension_numbers = #tpu.dot_dimension_numbers<[1], [0], [0], [1], [0, 0, 1, 1], [], []>, transpose_lhs_hint = false} : vector<960x128xf32>, vector<128x64xf32>, vector<960x64xf32> -> vector<960x64xf32>
    %max3A_254 = arith.constant 0.000000e+00 : f32
    %max3A_255 = vector.broadcast %max3A_254 : f32 to vector<960x64xf32>
    %max3A_256 = arith.maximumf %dot_general3A_253, %max3A_255 : vector<960x64xf32>
    %max3A_257 = arith.maximumf %max3A_245, %max3A_256 : vector<960x64xf32>
    %slice3A_258 = vector.extract_strided_slice %get3A_1 {offsets = [0, 168], sizes = [960, 8], strides = [1, 1]} : vector<960x256xf32> to vector<960x8xf32>
    %dot_general3A_259 = arith.constant dense<0.000000e+00> : vector<960x128xf32>
    %dot_general3A_260 = tpu.matmul %slice3A_258, %get3A_4, %dot_general3A_259 {dimension_numbers = #tpu.dot_dimension_numbers<[1], [0], [0], [1], [0, 0, 1, 1], [], []>, transpose_lhs_hint = false} : vector<960x8xf32>, vector<8x128xf32>, vector<960x128xf32> -> vector<960x128xf32>
    %max3A_261 = arith.constant 0.000000e+00 : f32
    %max3A_262 = vector.broadcast %max3A_261 : f32 to vector<960x128xf32>
    %max3A_263 = arith.maximumf %dot_general3A_260, %max3A_262 : vector<960x128xf32>
    %dot_general3A_264 = arith.constant dense<0.000000e+00> : vector<960x64xf32>
    %dot_general3A_265 = tpu.matmul %max3A_263, %get3A_7, %dot_general3A_264 {dimension_numbers = #tpu.dot_dimension_numbers<[1], [0], [0], [1], [0, 0, 1, 1], [], []>, transpose_lhs_hint = false} : vector<960x128xf32>, vector<128x64xf32>, vector<960x64xf32> -> vector<960x64xf32>
    %max3A_266 = arith.constant 0.000000e+00 : f32
    %max3A_267 = vector.broadcast %max3A_266 : f32 to vector<960x64xf32>
    %max3A_268 = arith.maximumf %dot_general3A_265, %max3A_267 : vector<960x64xf32>
    %max3A_269 = arith.maximumf %max3A_257, %max3A_268 : vector<960x64xf32>
    %slice3A_270 = vector.extract_strided_slice %get3A_1 {offsets = [0, 176], sizes = [960, 8], strides = [1, 1]} : vector<960x256xf32> to vector<960x8xf32>
    %dot_general3A_271 = arith.constant dense<0.000000e+00> : vector<960x128xf32>
    %dot_general3A_272 = tpu.matmul %slice3A_270, %get3A_4, %dot_general3A_271 {dimension_numbers = #tpu.dot_dimension_numbers<[1], [0], [0], [1], [0, 0, 1, 1], [], []>, transpose_lhs_hint = false} : vector<960x8xf32>, vector<8x128xf32>, vector<960x128xf32> -> vector<960x128xf32>
    %max3A_273 = arith.constant 0.000000e+00 : f32
    %max3A_274 = vector.broadcast %max3A_273 : f32 to vector<960x128xf32>
    %max3A_275 = arith.maximumf %dot_general3A_272, %max3A_274 : vector<960x128xf32>
    %dot_general3A_276 = arith.constant dense<0.000000e+00> : vector<960x64xf32>
    %dot_general3A_277 = tpu.matmul %max3A_275, %get3A_7, %dot_general3A_276 {dimension_numbers = #tpu.dot_dimension_numbers<[1], [0], [0], [1], [0, 0, 1, 1], [], []>, transpose_lhs_hint = false} : vector<960x128xf32>, vector<128x64xf32>, vector<960x64xf32> -> vector<960x64xf32>
    %max3A_278 = arith.constant 0.000000e+00 : f32
    %max3A_279 = vector.broadcast %max3A_278 : f32 to vector<960x64xf32>
    %max3A_280 = arith.maximumf %dot_general3A_277, %max3A_279 : vector<960x64xf32>
    %max3A_281 = arith.maximumf %max3A_269, %max3A_280 : vector<960x64xf32>
    %slice3A_282 = vector.extract_strided_slice %get3A_1 {offsets = [0, 184], sizes = [960, 8], strides = [1, 1]} : vector<960x256xf32> to vector<960x8xf32>
    %dot_general3A_283 = arith.constant dense<0.000000e+00> : vector<960x128xf32>
    %dot_general3A_284 = tpu.matmul %slice3A_282, %get3A_4, %dot_general3A_283 {dimension_numbers = #tpu.dot_dimension_numbers<[1], [0], [0], [1], [0, 0, 1, 1], [], []>, transpose_lhs_hint = false} : vector<960x8xf32>, vector<8x128xf32>, vector<960x128xf32> -> vector<960x128xf32>
    %max3A_285 = arith.constant 0.000000e+00 : f32
    %max3A_286 = vector.broadcast %max3A_285 : f32 to vector<960x128xf32>
    %max3A_287 = arith.maximumf %dot_general3A_284, %max3A_286 : vector<960x128xf32>
    %dot_general3A_288 = arith.constant dense<0.000000e+00> : vector<960x64xf32>
    %dot_general3A_289 = tpu.matmul %max3A_287, %get3A_7, %dot_general3A_288 {dimension_numbers = #tpu.dot_dimension_numbers<[1], [0], [0], [1], [0, 0, 1, 1], [], []>, transpose_lhs_hint = false} : vector<960x128xf32>, vector<128x64xf32>, vector<960x64xf32> -> vector<960x64xf32>
    %max3A_290 = arith.constant 0.000000e+00 : f32
    %max3A_291 = vector.broadcast %max3A_290 : f32 to vector<960x64xf32>
    %max3A_292 = arith.maximumf %dot_general3A_289, %max3A_291 : vector<960x64xf32>
    %max3A_293 = arith.maximumf %max3A_281, %max3A_292 : vector<960x64xf32>
    %slice3A_294 = vector.extract_strided_slice %get3A_1 {offsets = [0, 192], sizes = [960, 8], strides = [1, 1]} : vector<960x256xf32> to vector<960x8xf32>
    %dot_general3A_295 = arith.constant dense<0.000000e+00> : vector<960x128xf32>
    %dot_general3A_296 = tpu.matmul %slice3A_294, %get3A_4, %dot_general3A_295 {dimension_numbers = #tpu.dot_dimension_numbers<[1], [0], [0], [1], [0, 0, 1, 1], [], []>, transpose_lhs_hint = false} : vector<960x8xf32>, vector<8x128xf32>, vector<960x128xf32> -> vector<960x128xf32>
    %max3A_297 = arith.constant 0.000000e+00 : f32
    %max3A_298 = vector.broadcast %max3A_297 : f32 to vector<960x128xf32>
    %max3A_299 = arith.maximumf %dot_general3A_296, %max3A_298 : vector<960x128xf32>
    %dot_general3A_300 = arith.constant dense<0.000000e+00> : vector<960x64xf32>
    %dot_general3A_301 = tpu.matmul %max3A_299, %get3A_7, %dot_general3A_300 {dimension_numbers = #tpu.dot_dimension_numbers<[1], [0], [0], [1], [0, 0, 1, 1], [], []>, transpose_lhs_hint = false} : vector<960x128xf32>, vector<128x64xf32>, vector<960x64xf32> -> vector<960x64xf32>
    %max3A_302 = arith.constant 0.000000e+00 : f32
    %max3A_303 = vector.broadcast %max3A_302 : f32 to vector<960x64xf32>
    %max3A_304 = arith.maximumf %dot_general3A_301, %max3A_303 : vector<960x64xf32>
    %max3A_305 = arith.maximumf %max3A_293, %max3A_304 : vector<960x64xf32>
    %slice3A_306 = vector.extract_strided_slice %get3A_1 {offsets = [0, 200], sizes = [960, 8], strides = [1, 1]} : vector<960x256xf32> to vector<960x8xf32>
    %dot_general3A_307 = arith.constant dense<0.000000e+00> : vector<960x128xf32>
    %dot_general3A_308 = tpu.matmul %slice3A_306, %get3A_4, %dot_general3A_307 {dimension_numbers = #tpu.dot_dimension_numbers<[1], [0], [0], [1], [0, 0, 1, 1], [], []>, transpose_lhs_hint = false} : vector<960x8xf32>, vector<8x128xf32>, vector<960x128xf32> -> vector<960x128xf32>
    %max3A_309 = arith.constant 0.000000e+00 : f32
    %max3A_310 = vector.broadcast %max3A_309 : f32 to vector<960x128xf32>
    %max3A_311 = arith.maximumf %dot_general3A_308, %max3A_310 : vector<960x128xf32>
    %dot_general3A_312 = arith.constant dense<0.000000e+00> : vector<960x64xf32>
    %dot_general3A_313 = tpu.matmul %max3A_311, %get3A_7, %dot_general3A_312 {dimension_numbers = #tpu.dot_dimension_numbers<[1], [0], [0], [1], [0, 0, 1, 1], [], []>, transpose_lhs_hint = false} : vector<960x128xf32>, vector<128x64xf32>, vector<960x64xf32> -> vector<960x64xf32>
    %max3A_314 = arith.constant 0.000000e+00 : f32
    %max3A_315 = vector.broadcast %max3A_314 : f32 to vector<960x64xf32>
    %max3A_316 = arith.maximumf %dot_general3A_313, %max3A_315 : vector<960x64xf32>
    %max3A_317 = arith.maximumf %max3A_305, %max3A_316 : vector<960x64xf32>
    %slice3A_318 = vector.extract_strided_slice %get3A_1 {offsets = [0, 208], sizes = [960, 8], strides = [1, 1]} : vector<960x256xf32> to vector<960x8xf32>
    %dot_general3A_319 = arith.constant dense<0.000000e+00> : vector<960x128xf32>
    %dot_general3A_320 = tpu.matmul %slice3A_318, %get3A_4, %dot_general3A_319 {dimension_numbers = #tpu.dot_dimension_numbers<[1], [0], [0], [1], [0, 0, 1, 1], [], []>, transpose_lhs_hint = false} : vector<960x8xf32>, vector<8x128xf32>, vector<960x128xf32> -> vector<960x128xf32>
    %max3A_321 = arith.constant 0.000000e+00 : f32
    %max3A_322 = vector.broadcast %max3A_321 : f32 to vector<960x128xf32>
    %max3A_323 = arith.maximumf %dot_general3A_320, %max3A_322 : vector<960x128xf32>
    %dot_general3A_324 = arith.constant dense<0.000000e+00> : vector<960x64xf32>
    %dot_general3A_325 = tpu.matmul %max3A_323, %get3A_7, %dot_general3A_324 {dimension_numbers = #tpu.dot_dimension_numbers<[1], [0], [0], [1], [0, 0, 1, 1], [], []>, transpose_lhs_hint = false} : vector<960x128xf32>, vector<128x64xf32>, vector<960x64xf32> -> vector<960x64xf32>
    %max3A_326 = arith.constant 0.000000e+00 : f32
    %max3A_327 = vector.broadcast %max3A_326 : f32 to vector<960x64xf32>
    %max3A_328 = arith.maximumf %dot_general3A_325, %max3A_327 : vector<960x64xf32>
    %max3A_329 = arith.maximumf %max3A_317, %max3A_328 : vector<960x64xf32>
    %slice3A_330 = vector.extract_strided_slice %get3A_1 {offsets = [0, 216], sizes = [960, 8], strides = [1, 1]} : vector<960x256xf32> to vector<960x8xf32>
    %dot_general3A_331 = arith.constant dense<0.000000e+00> : vector<960x128xf32>
    %dot_general3A_332 = tpu.matmul %slice3A_330, %get3A_4, %dot_general3A_331 {dimension_numbers = #tpu.dot_dimension_numbers<[1], [0], [0], [1], [0, 0, 1, 1], [], []>, transpose_lhs_hint = false} : vector<960x8xf32>, vector<8x128xf32>, vector<960x128xf32> -> vector<960x128xf32>
    %max3A_333 = arith.constant 0.000000e+00 : f32
    %max3A_334 = vector.broadcast %max3A_333 : f32 to vector<960x128xf32>
    %max3A_335 = arith.maximumf %dot_general3A_332, %max3A_334 : vector<960x128xf32>
    %dot_general3A_336 = arith.constant dense<0.000000e+00> : vector<960x64xf32>
    %dot_general3A_337 = tpu.matmul %max3A_335, %get3A_7, %dot_general3A_336 {dimension_numbers = #tpu.dot_dimension_numbers<[1], [0], [0], [1], [0, 0, 1, 1], [], []>, transpose_lhs_hint = false} : vector<960x128xf32>, vector<128x64xf32>, vector<960x64xf32> -> vector<960x64xf32>
    %max3A_338 = arith.constant 0.000000e+00 : f32
    %max3A_339 = vector.broadcast %max3A_338 : f32 to vector<960x64xf32>
    %max3A_340 = arith.maximumf %dot_general3A_337, %max3A_339 : vector<960x64xf32>
    %max3A_341 = arith.maximumf %max3A_329, %max3A_340 : vector<960x64xf32>
    %slice3A_342 = vector.extract_strided_slice %get3A_1 {offsets = [0, 224], sizes = [960, 8], strides = [1, 1]} : vector<960x256xf32> to vector<960x8xf32>
    %dot_general3A_343 = arith.constant dense<0.000000e+00> : vector<960x128xf32>
    %dot_general3A_344 = tpu.matmul %slice3A_342, %get3A_4, %dot_general3A_343 {dimension_numbers = #tpu.dot_dimension_numbers<[1], [0], [0], [1], [0, 0, 1, 1], [], []>, transpose_lhs_hint = false} : vector<960x8xf32>, vector<8x128xf32>, vector<960x128xf32> -> vector<960x128xf32>
    %max3A_345 = arith.constant 0.000000e+00 : f32
    %max3A_346 = vector.broadcast %max3A_345 : f32 to vector<960x128xf32>
    %max3A_347 = arith.maximumf %dot_general3A_344, %max3A_346 : vector<960x128xf32>
    %dot_general3A_348 = arith.constant dense<0.000000e+00> : vector<960x64xf32>
    %dot_general3A_349 = tpu.matmul %max3A_347, %get3A_7, %dot_general3A_348 {dimension_numbers = #tpu.dot_dimension_numbers<[1], [0], [0], [1], [0, 0, 1, 1], [], []>, transpose_lhs_hint = false} : vector<960x128xf32>, vector<128x64xf32>, vector<960x64xf32> -> vector<960x64xf32>
    %max3A_350 = arith.constant 0.000000e+00 : f32
    %max3A_351 = vector.broadcast %max3A_350 : f32 to vector<960x64xf32>
    %max3A_352 = arith.maximumf %dot_general3A_349, %max3A_351 : vector<960x64xf32>
    %max3A_353 = arith.maximumf %max3A_341, %max3A_352 : vector<960x64xf32>
    %slice3A_354 = vector.extract_strided_slice %get3A_1 {offsets = [0, 232], sizes = [960, 8], strides = [1, 1]} : vector<960x256xf32> to vector<960x8xf32>
    %dot_general3A_355 = arith.constant dense<0.000000e+00> : vector<960x128xf32>
    %dot_general3A_356 = tpu.matmul %slice3A_354, %get3A_4, %dot_general3A_355 {dimension_numbers = #tpu.dot_dimension_numbers<[1], [0], [0], [1], [0, 0, 1, 1], [], []>, transpose_lhs_hint = false} : vector<960x8xf32>, vector<8x128xf32>, vector<960x128xf32> -> vector<960x128xf32>
    %max3A_357 = arith.constant 0.000000e+00 : f32
    %max3A_358 = vector.broadcast %max3A_357 : f32 to vector<960x128xf32>
    %max3A_359 = arith.maximumf %dot_general3A_356, %max3A_358 : vector<960x128xf32>
    %dot_general3A_360 = arith.constant dense<0.000000e+00> : vector<960x64xf32>
    %dot_general3A_361 = tpu.matmul %max3A_359, %get3A_7, %dot_general3A_360 {dimension_numbers = #tpu.dot_dimension_numbers<[1], [0], [0], [1], [0, 0, 1, 1], [], []>, transpose_lhs_hint = false} : vector<960x128xf32>, vector<128x64xf32>, vector<960x64xf32> -> vector<960x64xf32>
    %max3A_362 = arith.constant 0.000000e+00 : f32
    %max3A_363 = vector.broadcast %max3A_362 : f32 to vector<960x64xf32>
    %max3A_364 = arith.maximumf %dot_general3A_361, %max3A_363 : vector<960x64xf32>
    %max3A_365 = arith.maximumf %max3A_353, %max3A_364 : vector<960x64xf32>
    %slice3A_366 = vector.extract_strided_slice %get3A_1 {offsets = [0, 240], sizes = [960, 8], strides = [1, 1]} : vector<960x256xf32> to vector<960x8xf32>
    %dot_general3A_367 = arith.constant dense<0.000000e+00> : vector<960x128xf32>
    %dot_general3A_368 = tpu.matmul %slice3A_366, %get3A_4, %dot_general3A_367 {dimension_numbers = #tpu.dot_dimension_numbers<[1], [0], [0], [1], [0, 0, 1, 1], [], []>, transpose_lhs_hint = false} : vector<960x8xf32>, vector<8x128xf32>, vector<960x128xf32> -> vector<960x128xf32>
    %max3A_369 = arith.constant 0.000000e+00 : f32
    %max3A_370 = vector.broadcast %max3A_369 : f32 to vector<960x128xf32>
    %max3A_371 = arith.maximumf %dot_general3A_368, %max3A_370 : vector<960x128xf32>
    %dot_general3A_372 = arith.constant dense<0.000000e+00> : vector<960x64xf32>
    %dot_general3A_373 = tpu.matmul %max3A_371, %get3A_7, %dot_general3A_372 {dimension_numbers = #tpu.dot_dimension_numbers<[1], [0], [0], [1], [0, 0, 1, 1], [], []>, transpose_lhs_hint = false} : vector<960x128xf32>, vector<128x64xf32>, vector<960x64xf32> -> vector<960x64xf32>
    %max3A_374 = arith.constant 0.000000e+00 : f32
    %max3A_375 = vector.broadcast %max3A_374 : f32 to vector<960x64xf32>
    %max3A_376 = arith.maximumf %dot_general3A_373, %max3A_375 : vector<960x64xf32>
    %max3A_377 = arith.maximumf %max3A_365, %max3A_376 : vector<960x64xf32>
    %slice3A_378 = vector.extract_strided_slice %get3A_1 {offsets = [0, 248], sizes = [960, 8], strides = [1, 1]} : vector<960x256xf32> to vector<960x8xf32>
    %dot_general3A_379 = arith.constant dense<0.000000e+00> : vector<960x128xf32>
    %dot_general3A_380 = tpu.matmul %slice3A_378, %get3A_4, %dot_general3A_379 {dimension_numbers = #tpu.dot_dimension_numbers<[1], [0], [0], [1], [0, 0, 1, 1], [], []>, transpose_lhs_hint = false} : vector<960x8xf32>, vector<8x128xf32>, vector<960x128xf32> -> vector<960x128xf32>
    %max3A_381 = arith.constant 0.000000e+00 : f32
    %max3A_382 = vector.broadcast %max3A_381 : f32 to vector<960x128xf32>
    %max3A_383 = arith.maximumf %dot_general3A_380, %max3A_382 : vector<960x128xf32>
    %dot_general3A_384 = arith.constant dense<0.000000e+00> : vector<960x64xf32>
    %dot_general3A_385 = tpu.matmul %max3A_383, %get3A_7, %dot_general3A_384 {dimension_numbers = #tpu.dot_dimension_numbers<[1], [0], [0], [1], [0, 0, 1, 1], [], []>, transpose_lhs_hint = false} : vector<960x128xf32>, vector<128x64xf32>, vector<960x64xf32> -> vector<960x64xf32>
    %max3A_386 = arith.constant 0.000000e+00 : f32
    %max3A_387 = vector.broadcast %max3A_386 : f32 to vector<960x64xf32>
    %max3A_388 = arith.maximumf %dot_general3A_385, %max3A_387 : vector<960x64xf32>
    %max3A_389 = arith.maximumf %max3A_377, %max3A_388 : vector<960x64xf32>
    %swap3A = arith.constant 0 : index
    %swap3A_390 = arith.constant 0 : index
    %swap3A_391 = vector.load %arg4[%swap3A, %swap3A_390] : memref<960x64xf32, #tpu.memory_space<vmem>>, vector<960x64xf32>
    tpu.vector_store %arg4[%swap3A, %swap3A_390], %max3A_389 {strides = array<i32>} : memref<960x64xf32, #tpu.memory_space<vmem>>, vector<960x64xf32>,
    return
  }
  func.func @transform_0(%arg0: i32) -> (i32, i32) {
    %c0_i32 = arith.constant 0 : i32
    %c0_i32_0 = arith.constant 0 : i32
    return %arg0, %c0_i32 : i32, i32
  }
  func.func @transform_1(%arg0: i32) -> (i32, i32) {
    %c0_i32 = arith.constant 0 : i32
    %c0_i32_0 = arith.constant 0 : i32
    %c0_i32_1 = arith.constant 0 : i32
    return %c0_i32, %c0_i32_0 : i32, i32
  }
  func.func @transform_2(%arg0: i32) -> (i32, i32) {
    %c0_i32 = arith.constant 0 : i32
    %c0_i32_0 = arith.constant 0 : i32
    %c0_i32_1 = arith.constant 0 : i32
    return %c0_i32, %c0_i32_0 : i32, i32
  }
  func.func @transform_3(%arg0: i32) -> (i32, i32) {
    %c0_i32 = arith.constant 0 : i32
    %c0_i32_0 = arith.constant 0 : i32
    return %arg0, %c0_i32 : i32, i32
  }
}

</mosaic_0001>

<sc_bundles>
// kernel: kernel.5.cloned.1.call-start
scs
__scs_entry_jumppad:
0x0: {  	(pc) =	sbr.rel $0x88, $3  }
0x1: {  	(tag) =	ssettag $0x0;
	lr =	simm.s32 $0x1  }
0x2: {  	[smem:$0x3F9D] =	sst lr;
	_ =	strace $0xD0000000  }
0x3: {  	_ = 	snop  }
0x4: {  	_ = 	snop  }
0x5: {  	_ = 	snop  }
0x6: {  	_ = 	snop  }
0x7: {  	_ = 	snop  }
__scs_overlays_trampoline_lowered:
0x8: {  	[smem:$0x3FAC] =	sst s0  }
0x9: {  	[smem:$0x3FAD] =	sst s1  }
0xa: {  	[smem:$0x3FAE] =	sst s2  }
0xb: {  	[smem:$0x3FAF] =	sst s3  }
0xc: {  	[smem:$0x3FB0] =	sst s4  }
0xd: {  	[smem:$0x3FB1] =	sst s5  }
0xe: {  	[smem:$0x3FB2] =	sst s6  }
0xf: {  	[smem:$0x3FB3] =	sst s7  }
0x10: {  	[smem:$0x3FB4] =	sst s8  }
0x11: {  	[smem:$0x3FB5] =	sst s9;
	s0 =	simm.s32 @!p0 $0x0  }
0x12: {  	s1 =	sld [smem:$0x3F9B];
	s0 =	simm.s32 @p0 $0x1  }
0x13: {  	[smem:$0x3FB6] =	sst s0;
	s0 =	simm.s32 @!p1 $0x0  }
0x14: {  	s2 =	sld [smem:$0x3F9A];
	s0 =	simm.s32 @p1 $0x1  }
0x15: {  	[smem:$0x3FB7] =	sst s0;
	s0 =	simm.s32 @!p2 $0x0  }
0x16: {  	s3 =	sld [smem:$0x3FDB];
	s0 =	simm.s32 @p2 $0x1  }
0x17: {  	s4 =	simm.s32 $0x1BF5;
	[smem:$0x3FB9] =	sst s0  }
0x18: {  	s0 =	sld [smem:$0x3F9C];
	_ =	swait.ge [sflag:s4], $0x0  }
0x19: {  	s7 =	sld [smem:$0x3F9D]  }
0x1a: {  	s8 =	sadd.s32 $0xFFFFE003, lr  }
0x1b: {  	s9 =	sadd.s32 $0xFFFFFEF7, lr;
	s5 =	simm.s32 $0xFFFFFFFF;
	p2 =	slt.u32 s8, $0xFFFFF086  }
0x1c: {  	p1 =	slt.u32 s9, $0xF7A;
	s5 =	simm.s32 @!p2 $0x0  }
0x1d: {  	s5 =	simm.s32 @p1 $0x1;
	p0 =	seq.s32 s7, s2  }
0x1e: {  	s7 =	smul.u32 @!p0 $0xF7A, s2;
	p2 =	seq.s32 @!p0 s5, $0x0  }
0x1f: {  	s9 =	smul.u32 $0xF7A, s1;
	s8 =	simm.s32 @!p0 $0x1BF5;
	p2 =	por !p2, p0  }
0x20: {  	[sflag:s8] =	ssyncset.s32 @!p0 $0xFFFFF086;
	s6 =	sadd.s32 @!p0 s3, s7;
	s7 =	simm.s32 @!p0 $0x108  }
0x21: {  	s3 =	sadd.s32 s3, s9;
	s6 =	sadd.s32 @!p0 $0x88, s6;
	s7 =	simm.s32 @p2 $0x1082  }
0x22: {  	[simem:s7], [sflag:s8] =	dma.local @!p0 [hbm:s6], $0xF7A  }
0x23: {  	s9 =	sor.u32 $0xD0000000, s2;
	s6 =	simm.s32 $0x108;
	_ =	swait.ge @!p0 [sflag:s8], $0x0  }
0x24: {  	s3 =	sadd.s32 $0x88, s3;
	s6 =	simm.s32 @!p1 $0x1082;
	[sflag:s4] =	ssyncset.s32 $0xFFFFF086  }
0x25: {  	[simem:s6], [sflag:s4] =	dma.local [hbm:s3], $0xF7A  }
0x26: {  	[smem:$0x3F9D] =	sst s1;
	(tag) =	ssettag s2;
	_ =	strace s9  }
0x27: {  	s1 =	sld [smem:$0x3FAD]  }
0x28: {  	s2 =	sld [smem:$0x3FAE]  }
0x29: {  	s4 =	sld [smem:$0x3FB0]  }
0x2a: {  	p0 =	seq.s32 s5, $0x0;
	s5 =	sld [smem:$0x3FB1]  }
0x2b: {  	s6 =	sld [smem:$0x3FB2]  }
0x2c: {  	s7 =	sld [smem:$0x3FB3]  }
0x2d: {  	s3 =	simm.s32 $0x108;
	s8 =	sld [smem:$0x3FB4]  }
0x2e: {  	s3 =	simm.s32 @!p0 $0x1082;
	s9 =	sld [smem:$0x3FB5]  }
0x2f: {  	lr =	sadd.s32 s0, s3;
	s0 =	sld [smem:$0x3FAC]  }
0x30: {  	s3 =	sld [smem:$0x3FAF]  }
0x31: {  	[smem:$0x3FB8] =	sst s10  }
0x32: {  	s10 =	sld [smem:$0x3FB6];
	_ =	sdelay $0x3  }
0x33: {  	p0 =	seq.s32 s10, $0x1;
	s10 =	sld [smem:$0x3FB8];
	_ =	sdelay $0x3  }
0x34: {  	[smem:$0x3FB8] =	sst s10  }
0x35: {  	s10 =	sld [smem:$0x3FB7];
	_ =	sdelay $0x3  }
0x36: {  	p1 =	seq.s32 s10, $0x1;
	s10 =	sld [smem:$0x3FB8];
	_ =	sdelay $0x3  }
0x37: {  	[smem:$0x3FB8] =	sst s10  }
0x38: {  	s10 =	sld [smem:$0x3FB9]  }
0x39: {  	_ = 	snop;
	(pc) =	sbr.ind lr, $3  }
0x3a: {  	_ = 	snop  }
0x3b: {  	_ = 	snop  }
0x3c: {  	p2 =	seq.s32 s10, $0x1;
	s10 =	sld [smem:$0x3FB8]  }
0x3d: {  	_ =	shalt  }
0x3e: {  	_ =	shalt  }
0x3f: {  	_ =	shalt  }
0x40: {  	_ =	shalt  }
0x41: {  	_ =	shalt  }
0x42: {  	_ =	shalt  }
0x43: {  	_ =	shalt  }
0x44: {  	_ =	shalt  }
0x45: {  	_ =	shalt  }
0x46: {  	_ =	shalt  }
0x47: {  	_ =	shalt  }
0x48: {  	_ =	shalt  }
0x49: {  	_ =	shalt  }
0x4a: {  	_ =	shalt  }
0x4b: {  	_ =	shalt  }
0x4c: {  	_ =	shalt  }
0x4d: {  	_ =	shalt  }
0x4e: {  	_ =	shalt  }
0x4f: {  	_ =	shalt  }
0x50: {  	_ =	shalt  }
0x51: {  	_ =	shalt  }
0x52: {  	_ =	shalt  }
0x53: {  	_ =	shalt  }
0x54: {  	_ =	shalt  }
0x55: {  	_ =	shalt  }
0x56: {  	_ =	shalt  }
0x57: {  	_ =	shalt  }
0x58: {  	_ =	shalt  }
0x59: {  	_ =	shalt  }
0x5a: {  	_ =	shalt  }
0x5b: {  	_ =	shalt  }
0x5c: {  	_ =	shalt  }
0x5d: {  	_ =	shalt  }
0x5e: {  	_ =	shalt  }
0x5f: {  	_ =	shalt  }
0x60: {  	_ =	shalt  }
0x61: {  	_ =	shalt  }
0x62: {  	_ =	shalt  }
0x63: {  	_ =	shalt  }
0x64: {  	_ =	shalt  }
0x65: {  	_ =	shalt  }
0x66: {  	_ =	shalt  }
0x67: {  	_ =	shalt  }
0x68: {  	_ =	shalt  }
0x69: {  	_ =	shalt  }
0x6a: {  	_ =	shalt  }
0x6b: {  	_ =	shalt  }
0x6c: {  	_ =	shalt  }
0x6d: {  	_ =	shalt  }
0x6e: {  	_ =	shalt  }
0x6f: {  	_ =	shalt  }
0x70: {  	_ =	shalt  }
0x71: {  	_ =	shalt  }
0x72: {  	_ =	shalt  }
0x73: {  	_ =	shalt  }
0x74: {  	_ =	shalt  }
0x75: {  	_ =	shalt  }
0x76: {  	_ =	shalt  }
0x77: {  	_ =	shalt  }
0x78: {  	_ =	shalt  }
0x79: {  	_ =	shalt  }
0x7a: {  	_ =	shalt  }
0x7b: {  	_ =	shalt  }
0x7c: {  	_ =	shalt  }
0x7d: {  	_ =	shalt  }
0x7e: {  	_ =	shalt  }
0x7f: {  	_ =	shalt  }
0x80: {  	_ =	shalt  }
0x81: {  	_ =	shalt  }
0x82: {  	_ =	shalt  }
0x83: {  	_ =	shalt  }
0x84: {  	_ =	shalt  }
0x85: {  	_ =	shalt  }
0x86: {  	_ =	shalt  }
0x87: {  	_ =	shalt  }
.Lfunc_end0:
.L_simem_size_0:
called_computation_lowered:
.L_overlay_start_0:
0x88: {  	s2 =	sld [smem:$0x3FD9]  }
0x89: {  	s3 =	sld [smem:$0x3FFE];
	_ =	sdelay $0x1  }
0x8a: {  	s1 =	srdreg.scid  }
0x8b: {  	s0 =	sand.u32 $0x1, s1  }
0x8c: {  	s17 =	sshll.u32 s0, $0xA;
	s2 =	sadd.s32 s3, s2  }
0x8d: {  	s2 =	sadd.s32 s2, s17  }
0x8e: {  	[smem:$0x3FC4] =	sst s2  }
0x8f: {  	_ = 	snop  }
0x90: {  	s2 =	sld [smem:$0x3FD0];
	(tm) =	ssettm $0x1  }
0x91: {  	s18 =	sld [smem:$0x3FFB];
	_ =	sdelay $0x3  }
0x92: {  	_ =	strace s18  }
0x93: {  	s3 =	sld [smem:$0x3FFC];
	_ =	sdelay $0x3  }
0x94: {  	_ =	strace s3  }
0x95: {  	s3 =	sld [smem:$0x3FFD];
	_ =	sdelay $0x3  }
0x96: {  	_ =	strace s3  }
0x97: {  	_ =	strace $0x8FFFFFFF  }
0x98: {  	s19 =	sld [smem:$0x3FDB];
	_ =	sdelay $0x1  }
0x99: {  	s4 =	simm.s32 $_scs_section_size  }
0x9a: {  	s5 =	simm.s32 $_size__tile_overlayer_lowered;
	s6 =	simm.s32 $_tile_overlayer_lowered  }
0x9b: {  	s22 =	simm.s32 $0x1BFF;
	s21 =	sshll.u32 s6, $0x1;
	s3 =	sadd.s32 s4, s19  }
0x9c: {  	s7 =	simm.s32 $0x0;
	s20 =	sshll.u32 s5, $0x1;
	s5 =	sadd.s32 s21, s3  }
0x9d: {  	[timem:s7], [sflag:s22] =	dma.local [hbm:s5], s20  }
0x9e: {  	_ =	swait.ge [sflag:s22], s20  }
0x9f: {  	s4 =	ssub.s32 $0x0, s20;
	[sflag:s22] =	ssyncset.done $0x0  }
0xa0: {  	[sflag:s22] =	ssyncadd.s32 s4;
	_ =	sdelay $0x1  }
0xa1: {  	s23 =	simm.s32 $0x1B8B  }
0xa2: {  	_ =	swait.ge [sflag:s23], $0x1  }
0xa3: {  	[sflag:s23] =	ssyncset.done $0x0  }
0xa4: {  	s25 =	simm.s32 $0x1B8E;
	s24 =	sld [smem:$0x3FFE];
	[sflag:s23] =	ssyncadd.s32 $0xFFFFFFFF  }
0xa5: {  	s26 =	simm.s32 $execute0_lowered;
	[smem:$0x3FD2] =	sst s25  }
0xa6: {  	s5 =	sshll.u32 s26, $0x1;
	_ =	strace $0x80000046;
	[dreg:$0x1] =	wrdreg $0xFFFFFFFF  }
0xa7: {  	s28 =	simm.s32 $_size_execute0_lowered;
	s3 =	sadd.s32 s3, s5;
	[dreg:$0x0] =	wrdreg $0x0  }
0xa8: {  	s5 =	sshll.u32 s28, $0x1;
	[dreg:$0x2] =	wrdreg s3  }
0xa9: {  	[dreg:$0x3] =	wrdreg s5  }
0xaa: {  	[dreg:$0x4] =	wrdreg $0xC0  }
0xab: {  	_ =	task [dreg:s7], $0x5FFFF  }
0xac: {  	[dreg:$0x1] =	wrdreg $0xFFFFFFFF  }
0xad: {  	[dreg:$0x0] =	wrdreg $0x60  }
0xae: {  	[dreg:$0x2] =	wrdreg s24  }
0xaf: {  	[dreg:$0x3] =	wrdreg s2  }
0xb0: {  	[dreg:$0x4] =	wrdreg $0x9  }
0xb1: {  	_ =	task.clear_ibuf [dreg:s7], $0x5FFFF;
	_ =	strace $0x90000046  }
0xb2: {  	s29 =	simm.s32 $0x9;
	_ =	strace $0x80000048  }
0xb3: {  	_ =	swait.ge [sflag:s29], $0x1  }
0xb4: {  	[sflag:s29] =	ssyncadd.s32 $0xFFFFFFFF  }
0xb5: {  	_ =	strace $0x90000048  }
0xb6: {  	_ =	sfence  }
0xb7: {  	s30 =	sld [smem:$0x0];
	_ =	sdelay $0x2  }
0xb8: {  	s31 =	sshll.u32 s1, $0xD;
	s1 =	sshrl.u32 s1, $0x2  }
0xb9: {  	s3 =	sand.u32 $0x4000, s31;
	s1 =	sadd.s32 s1, s30  }
0xba: {  	s0 =	sor.u32 s3, s0;
	s1 =	sshll.u32 s1, $0x11  }
0xbb: {  	s0 =	sor.u32 s1, s0  }
0xbc: {  	s0 =	sadd.s32 $0x8F2B, s0  }
0xbd: {  	[sflag:s0] =	ssyncadd.remote.s32 $0x1  }
0xbe: {  	_ =	sfence.sel $0xFFFF  }
0xbf: {  	[dreg:$0x0] =	wrdreg $0xFFFFFFFF;
	(pc) =	sbr.abs _section_cstart, $3  }
0xc0: {  	[dreg:$0x1] =	wrdreg $0xFFFFFFFF  }
0xc1: {  	_ =	task.clear_ibuf [dreg:s7], $0x2FFFF;
	_ =	strace $0x9FFFFFFF  }
0xc2: {  	(tm) =	ssettm $0x7FFFFFFF  }
0xc3: {  	_ =	shalt  }
tec
execute0_lowered:
.L_overlay_start_1:
0x0: {  	(tag) =	ssettag $0x1  }
0x1: {  	s0 =	rddreg [dreg:$0x0]  }
0x2: {  	s1 =	rddreg [dreg:$0x1]  }
0x3: {  	s2 =	simm.s32 $0x0;
	s7 =	stileid.u32;
	s4 =	srdreg.scid  }
0x4: {  	s14 =	simm.s32 $0x3;
	s15 =	simm.s32 $0xE80;
	s16 =	simm.s32 $0x1D00  }
0x5: {  	s20 =	simm.s32 $0x5700;
	s21 =	simm.s32 $0x6580;
	s22 =	simm.s32 $0x1  }
0x6: {  	s23 =	simm.s32 $0x7400;
	s24 =	simm.s32 $0x2;
	s25 =	simm.s32 $0x0  }
0x7: {  	v0 =	vlaneseq.u32;
	s29 =	simm.s32 $0x0;
	[smem:$0x7FF] =	sst s2;
	s3 =	sshrl.u32 s7, $0x1  }
0x8: {  	s4 =	sand.u32 $0x1, s4;
	s7 =	sshll.u32 s7, $0x1;
	v1 =	vmul.u32 $0x8, v0;
	_ =	strace $0x80000047  }
0x9: {  	s6 =	smul.u32 $0x1C2, s3;
	s3 =	sadd.s32 $0xD34000, s0;
	s5 =	ssub.s32 $0x2, s4  }
0xa: {  	v15 =	vimm.f32 $0.0e+00;
	s12 =	sor.u32 s4, s7;
	s4 =	sadd.s32 $0x75800, s0;
	s8 =	sshrl.u32 s5, $0x1;
	v2 =	vor.u32 $0x80, v1;
	v3 =	vor.u32 $0x1, v1  }
0xb: {  	s28 =	sand.u32 $0x3, s12;
	v4 =	vor.u32 $0x2, v1;
	s12 =	smul.u32 $0x384, s12;
	v5 =	vor.u32 $0x3, v1;
	v6 =	vor.u32 $0x4, v1;
	s11 =	sadd.s32 s6, s0  }
0xc: {  	v7 =	vor.u32 $0x5, v1;
	v8 =	vor.u32 $0xFFFFFE80, v1;
	v9 =	vor.u32 $0x81, v1;
	s26 =	ssub.s32 s5, s8;
	s5 =	smul.u32 $0x384, s28;
	s1 =	sadd.s32 s1, s6  }
0xd: {  	v10 =	vor.u32 $0x82, v1;
	v11 =	vor.u32 $0x83, v1;
	v12 =	vor.u32 $0x84, v1;
	[dreg:$0x3] =	wrdreg s1;
	s30 =	sadd.s32 $0x70800, s11;
	s31 =	sadd.s32 $0x71800, s11  }
0xe: {  	v13 =	vor.u32 $0x85, v1;
	v14 =	vor.u32 $0x6, v1;
	v16 =	vor.u32 $0x7, v1;
	s9 =	sadd.s32 $0x72800, s11;
	s10 =	sadd.s32 $0x73800, s11;
	[dreg:$0x4] =	wrdreg s30  }
0xf: {  	v17 =	vor.u32 $0x86, v1;
	v18 =	vor.u32 $0x87, v1;
	v19 =	vor.u32 $0xFFFFFF80, v1;
	s11 =	sadd.s32 $0x74800, s11;
	s13 =	smax.u32 s26, $0x1;
	[dreg:$0x5] =	wrdreg s31  }
.LBB2_1:
0x10: {  	s0 =	rddreg [dreg:$0x3]  }
0x11: {  	[tilespmem:s2], [sflag:$0x3] =	stream.linear.gather [hbm4b:s0+s2], $0xE10, $0x38;
	[tilespmem:$0x10A00] =	vst v63  }
0x12: {  	_ =	swait.ge [sflag:s14], $0xE10  }
0x13: {  	[sflag:s14] =	ssyncset.done $0x0  }
0x14: {  	s19 =	rddreg [dreg:$0x4];
	[sflag:s14] =	ssyncadd.s32 $0xFFFFF1F0  }
0x15: {  	[tilespmem:s15], [sflag:$0x3] =	stream.linear.gather [hbm4b:s19+s2], $0xE10, $0x38;
	[tilespmem:$0x10A00] =	vst v63  }
0x16: {  	_ =	swait.ge [sflag:s14], $0xE10  }
0x17: {  	[sflag:s14] =	ssyncset.done $0x0  }
0x18: {  	s26 =	rddreg [dreg:$0x5];
	[sflag:s14] =	ssyncadd.s32 $0xFFFFF1F0  }
0x19: {  	[tilespmem:s16], [sflag:$0x3] =	stream.linear.gather [hbm4b:s26+s2], $0xE10, $0x38;
	[tilespmem:$0x10A00] =	vst v63  }
0x1a: {  	_ =	swait.ge [sflag:s14], $0xE10  }
0x1b: {  	[sflag:s14] =	ssyncset.done $0x0  }
0x1c: {  	s28 =	simm.s32 $0x2B80;
	[sflag:s14] =	ssyncadd.s32 $0xFFFFF1F0  }
0x1d: {  	[tilespmem:s28], [sflag:$0x3] =	stream.linear.gather [hbm4b:s9+s2], $0xE10, $0x38;
	[tilespmem:$0x10A00] =	vst v63  }
0x1e: {  	_ =	swait.ge [sflag:s14], $0xE10  }
0x1f: {  	[sflag:s14] =	ssyncset.done $0x0  }
0x20: {  	s30 =	simm.s32 $0x3A00;
	[sflag:s14] =	ssyncadd.s32 $0xFFFFF1F0  }
0x21: {  	[tilespmem:s30], [sflag:$0x3] =	stream.linear.gather [hbm4b:s10+s2], $0xE10, $0x38;
	[tilespmem:$0x10A00] =	vst v63  }
0x22: {  	_ =	swait.ge [sflag:s14], $0xE10  }
0x23: {  	[sflag:s14] =	ssyncset.done $0x0  }
0x24: {  	s31 =	simm.s32 $0x4880;
	[sflag:s14] =	ssyncadd.s32 $0xFFFFF1F0  }
0x25: {  	[tilespmem:s31], [sflag:$0x3] =	stream.linear.gather [hbm4b:s11+s2], $0xE10, $0x38;
	[tilespmem:$0x10A00] =	vst v63  }
0x26: {  	_ =	swait.ge [sflag:s14], $0xE10  }
0x27: {  	[sflag:s14] =	ssyncset.done $0x0  }
0x28: {  	s26 =	simm.s32 $0x0;
	[sflag:s14] =	ssyncadd.s32 $0xFFFFF1F0  }
.LBB2_2:
0x29: {  	s0 =	smul.u32 $0x96, s26;
	_ =	sdelay $0x1  }
0x2a: {  	s28 =	sadd.s32 s12, s0  }
0x2b: {  	s1 =	smul.u32 $0x1C2, s28  }
0x2c: {  	s6 =	smul.u32 $0xE10, s28;
	_ =	sdelay $0x1  }
0x2d: {  	s1 =	sadd.s32 s3, s1;
	s19 =	sshrl.u32 s6, $0x3  }
0x2e: {  	[tilespmem:s20], [sflag:$0x1] =	stream.linear.gather [hbm4b:s1+s29], $0xE10, $0x38;
	[tilespmem:$0x10A00] =	vst v63  }
0x2f: {  	s0 =	sadd.s32 s5, s0;
	s30 =	sadd.s32 $0x2, s28;
	s1 =	sadd.s32 s3, s19  }
0x30: {  	s31 =	sadd.s32 $0x3, s28;
	v20 =	vmov s0;
	s0 =	simm.s32 $0x0;
	s1 =	sadd.s32 $0x1C2, s1  }
0x31: {  	[tilespmem:s21], [sflag:$0x2] =	stream.linear.gather [hbm4b:s1+s29], $0xE10, $0x38;
	[tilespmem:$0x10A00] =	vst v63  }
.LBB2_3:
0x32: {  	_ =	swait.ge [sflag:s22], $0xE10  }
0x33: {  	[sflag:s22] =	ssyncset.done $0x0  }
0x34: {  	s1 =	simm.s32 $0x5700;
	[sflag:s22] =	ssyncadd.s32 $0xFFFFF1F0  }
0x35: {  	v21 =	vld [tilespmem:s1+$0x0];
	_ =	sdelay $0x3  }
0x36: {  	v22 =	vor.u32 s29, v0  }
0x37: {  	(xrf1) =	vsort.ascd.msk.f32 $0xffff, v21, v22;
	_ =	sdelay $0xd  }
0x38: {  	v29, v28, _ =	vpop (xrf1)  }
0x39: {  	(v2sf) =	vpush v29, $0x0;
	_ =	sdelay $0xe  }
0x3a: {  	s17 =	simm.f32 $+Inf;
	s6 =	spop (v2sf)  }
0x3b: {  	p0 =	slt.f32 s6, s17  }
0x3c: {  	s1 =	sshll.u32 s0, $0x1  }
0x3d: {  	v23 =	vld.idx.msk [tilespmem:v20+s1+$0x4880 ss:$0x1], $0xffff;
	v25 =	vlaneseq.u32 @p0  }
0x3e: {  	v26 =	vimm.f32 $+Inf;
	v22 =	vld.idx.msk [tilespmem:v20+s1+$0x2B80 ss:$0x1], $0xffff;
	v30 =	vmul.u32 @p0 $0xFFFFFFFF, v25  }
0x3f: {  	v24 =	vimm.s32 $0x0;
	s18 =	simm.s32 $0x10;
	s19 =	simm.s32 $0x5710;
	v27 =	vimm.f32 $+Inf;
	v21 =	vld.idx.msk [tilespmem:v20+s1+$0x3A00 ss:$0x1], $0xffff;
	v25 =	vimm.s32 $0x0  }
.LBB2_4:
0x40: {  	v31 =	vld [tilespmem:s19+$0x0];
	v30 =	vadd.s32 @p0 $0xF, v30;
	s6 =	smov.u32 s18  }
0x41: {  	v29 =	vperm.xlane @p0 v29, v30;
	_ =	sdelay $0x1  }
0x42: {  	s18 =	sadd.s32 $0x10, s18;
	v28 =	vperm.xlane @p0 v28, v30;
	vm0 =	vle.f32 @p0 v26, v29  }
0x43: {  	v30 =	vor.u32 s6, v0;
	p1 =	sne.s32 s18, $0xE10;
	v29 =	vsel @p0 vm0, v26, v29  }
0x44: {  	v28 =	vsel @p0 vm0, v24, v28;
	(xrf1) =	vsort.ascd.msk.f32 $0xffff, v31, v30;
	vm0 =	vle.f32 @p0 v27, v29  }
0x45: {  	v30 =	vsel @p0 vm0, v25, v28;
	v31 =	vsel @p0 vm0, v29, v27;
	v28 =	vsel @p0 vm0, v28, v25  }
0x46: {  	v29 =	vsel @p0 vm0, v27, v29;
	(xrf1) =	vsort.ascd.msk.f32 @p0 $0xffff, v31, v28  }
0x47: {  	(xrf1) =	vsort.ascd.msk.f32 @p0 $0xffff, v29, v30;
	_ =	sdelay $0xa  }
0x48: {  	v29, v28, _ =	vpop (xrf1);
	_ =	sdelay $0x1  }
0x49: {  	v30, v31, _ =	vpop @p0 (xrf1)  }
0x4a: {  	v26 =	vpsel p0, v30, v26;
	v24 =	vpsel p0, v31, v24;
	v31, v32, _ =	vpop @p0 (xrf1);
	(v2sf) =	vpush @p0 v30, $0xF  }
0x4b: {  	(v2sf) =	vpush v29, $0x0;
	v27 =	vpsel p0, v31, v27;
	v25 =	vpsel p0, v32, v25;
	_ =	sdelay $0xd  }
0x4c: {  	s6 =	spop @p0 (v2sf)  }
0x4d: {  	s7 =	spop (v2sf);
	s17 =	smov.u32 @p0 s6  }
.Ltmp0:
0x4e: {  	p0 =	slt.f32 s7, s17;
	(pc) =	sbr.rel @p1 .LBB2_4-.Ltmp0, $4  }
0x4f: {  	_ = 	snop  }
0x50: {  	v30 =	vlaneseq.u32 @p0  }
0x51: {  	v30 =	vmul.u32 @p0 $0xFFFFFFFF, v30  }
0x52: {  	s19 =	sadd.s32 $0x10, s19  }
0x53: {  	v30 =	vadd.s32 @p0 $0xF, v30  }
0x54: {  	v29 =	vperm.xlane @p0 v29, v30;
	_ =	sdelay $0x1  }
0x55: {  	v28 =	vperm.xlane @p0 v28, v30;
	vm0 =	vle.f32 @p0 v26, v29  }
0x56: {  	v26 =	vsel @p0 vm0, v26, v29  }
0x57: {  	v28 =	vsel @p0 vm0, v24, v28;
	vm0 =	vle.f32 @p0 v27, v26  }
0x58: {  	v29 =	vsel @p0 vm0, v26, v27;
	v30 =	vsel @p0 vm0, v28, v25  }
0x59: {  	v28 =	vsel @p0 vm0, v25, v28;
	v26 =	vsel @p0 vm0, v27, v26;
	(xrf1) =	vsort.ascd.msk.f32 @p0 $0xffff, v29, v30  }
0x5a: {  	(xrf1) =	vsort.ascd.msk.f32 @p0 $0xffff, v26, v28;
	_ =	sdelay $0xc  }
0x5b: {  	v26, v27, _ =	vpop @p0 (xrf1)  }
0x5c: {  	v28, v29, _ =	vpop @p0 (xrf1)  }
0x5d: {  	v25 =	vpsel p0, v29, v25;
	_ =	sdelay $0x3  }
0x5e: {  	s6 =	simm.s32 $0x0  }
0x5f: {  	v24 =	vpsel p0, v27, v24;
	v27 =	vld.idx.msk [tilespmem:v25+s6+$0x0], $0xffff  }
0x60: {  	s7 =	sshll.u32 s0, $0x9;
	v28 =	vld.idx.msk [tilespmem:v25+s15+$0x0], $0xffff  }
0x61: {  	v29 =	vor.u32 s7, v1;
	v25 =	vld.idx.msk [tilespmem:v25+s16+$0x0], $0xffff  }
0x62: {  	v22 =	vbroadcast v22, $0x0;
	v30 =	vor.u32 s7, v3  }
0x63: {  	v21 =	vbroadcast v21, $0x0;
	v32 =	vor.u32 s7, v4  }
0x64: {  	v23 =	vbroadcast v23, $0x0;
	v35 =	vor.u32 s7, v5;
	v31 =	vld.idx.msk [tilespmem:v24+s6+$0x0], $0xffff;
	v34 =	vsub.f32 v27, v22  }
0x65: {  	v36 =	vor.u32 s7, v6;
	(v2sf) =	vpush @p0 v26, $0xF;
	v33 =	vld.idx.msk [tilespmem:v24+s15+$0x0], $0xffff;
	v26 =	vsub.f32 v28, v21  }
0x66: {  	v37 =	vor.u32 s7, v2;
	v63 =	vor.u32 s7, v7;
	v24 =	vld.idx.msk [tilespmem:v24+s16+$0x0], $0xffff;
	[tilespmem:v29+s23+$0x0] =	vst.idx.msk $0xffff, v34;
	v29 =	vsub.f32 v25, v23  }
0x67: {  	[tilespmem:v30+s23+$0x0] =	vst.idx.msk $0xffff, v26;
	v26 =	vand.u32 v8, v37  }
0x68: {  	[tilespmem:v32+s23+$0x0] =	vst.idx.msk $0xffff, v29;
	v29 =	vor.u32 s7, v9  }
0x69: {  	[tilespmem:v35+s23+$0x0] =	vst.idx.msk $0xffff, v27;
	v27 =	vor.u32 s7, v10  }
0x6a: {  	v22 =	vsub.f32 v31, v22;
	[tilespmem:v36+s23+$0x0] =	vst.idx.msk $0xffff, v28;
	v28 =	vor.u32 s7, v11  }
0x6b: {  	v21 =	vsub.f32 v33, v21;
	[tilespmem:v63+s23+$0x0] =	vst.idx.msk $0xffff, v25;
	v25 =	vor.u32 s7, v12  }
0x6c: {  	[tilespmem:v26+s23+$0x0] =	vst.idx.msk $0xffff, v22;
	v22 =	vsub.f32 v24, v23;
	v23 =	vor.u32 s7, v13  }
0x6d: {  	[tilespmem:v29+s23+$0x0] =	vst.idx.msk $0xffff, v21;
	v21 =	vor.u32 s7, v14  }
0x6e: {  	[tilespmem:v27+s23+$0x0] =	vst.idx.msk $0xffff, v22;
	v22 =	vor.u32 s7, v16  }
0x6f: {  	v26 =	vor.u32 s7, v17;
	[tilespmem:v28+s23+$0x0] =	vst.idx.msk $0xffff, v31  }
0x70: {  	[tilespmem:v25+s23+$0x0] =	vst.idx.msk $0xffff, v33;
	v25 =	vor.u32 s7, v18  }
0x71: {  	s17 =	smin.u32 s1, $0x92;
	[tilespmem:v23+s23+$0x0] =	vst.idx.msk $0xffff, v24  }
0x72: {  	s8 =	sadd.s32 s17, s30;
	[tilespmem:v21+s23+$0x0] =	vst.idx.msk $0xffff, v15  }
0x73: {  	s7 =	smul.u32 $0x1C2, s8;
	[tilespmem:v22+s23+$0x0] =	vst.idx.msk $0xffff, v15  }
0x74: {  	[tilespmem:v26+s23+$0x0] =	vst.idx.msk $0xffff, v15  }
0x75: {  	s18 =	spop @p0 (v2sf);
	s7 =	sadd.s32 s3, s7;
	[tilespmem:v25+s23+$0x0] =	vst.idx.msk $0xffff, v15  }
0x76: {  	[tilespmem:s20], [sflag:$0x1] =	stream.linear.gather [hbm4b:s7+s6], $0xE10, $0x38;
	[tilespmem:$0x10A00] =	vst v63  }
0x77: {  	_ =	swait.ge [sflag:s24], $0xE10  }
0x78: {  	[sflag:s24] =	ssyncset.done $0x0  }
0x79: {  	s18 =	simm.s32 $0x6580;
	[sflag:s24] =	ssyncadd.s32 $0xFFFFF1F0  }
0x7a: {  	v21 =	vld [tilespmem:s18+$0x0];
	_ =	sdelay $0x3  }
0x7b: {  	v22 =	vor.u32 s6, v0  }
0x7c: {  	(xrf1) =	vsort.ascd.msk.f32 $0xffff, v21, v22;
	_ =	sdelay $0xd  }
0x7d: {  	v29, v28, _ =	vpop (xrf1)  }
0x7e: {  	(v2sf) =	vpush v29, $0x0;
	_ =	sdelay $0xe  }
0x7f: {  	s18 =	simm.f32 $+Inf;
	s19 =	spop (v2sf)  }
0x80: {  	p0 =	slt.f32 s19, s18  }
0x81: {  	s1 =	sor.u32 $0x1, s1  }
0x82: {  	v23 =	vld.idx.msk [tilespmem:v20+s1+$0x4880 ss:$0x1], $0xffff;
	v25 =	vlaneseq.u32 @p0  }
0x83: {  	v27 =	vimm.f32 $+Inf;
	v22 =	vld.idx.msk [tilespmem:v20+s1+$0x2B80 ss:$0x1], $0xffff;
	v30 =	vmul.u32 @p0 $0xFFFFFFFF, v25  }
0x84: {  	v24 =	vimm.s32 $0x0;
	v26 =	vimm.f32 $+Inf;
	s6 =	simm.s32 $0x6590;
	v21 =	vld.idx.msk [tilespmem:v20+s1+$0x3A00 ss:$0x1], $0xffff;
	s19 =	simm.s32 $0x10;
	v25 =	vimm.s32 $0x0  }
.LBB2_6:
0x85: {  	v31 =	vld [tilespmem:s6+$0x0];
	v30 =	vadd.s32 @p0 $0xF, v30;
	s7 =	smov.u32 s19  }
0x86: {  	v29 =	vperm.xlane @p0 v29, v30;
	_ =	sdelay $0x1  }
0x87: {  	s19 =	sadd.s32 $0x10, s19;
	v28 =	vperm.xlane @p0 v28, v30;
	vm0 =	vle.f32 @p0 v26, v29  }
0x88: {  	v30 =	vor.u32 s7, v0;
	p1 =	sne.s32 s19, $0xE10;
	v29 =	vsel @p0 vm0, v26, v29  }
0x89: {  	v28 =	vsel @p0 vm0, v24, v28;
	(xrf1) =	vsort.ascd.msk.f32 $0xffff, v31, v30;
	vm0 =	vle.f32 @p0 v27, v29  }
0x8a: {  	v30 =	vsel @p0 vm0, v25, v28;
	v31 =	vsel @p0 vm0, v29, v27;
	v28 =	vsel @p0 vm0, v28, v25  }
0x8b: {  	v29 =	vsel @p0 vm0, v27, v29;
	(xrf1) =	vsort.ascd.msk.f32 @p0 $0xffff, v31, v28  }
0x8c: {  	(xrf1) =	vsort.ascd.msk.f32 @p0 $0xffff, v29, v30;
	_ =	sdelay $0xa  }
0x8d: {  	v29, v28, _ =	vpop (xrf1);
	_ =	sdelay $0x1  }
0x8e: {  	v30, v31, _ =	vpop @p0 (xrf1)  }
0x8f: {  	v26 =	vpsel p0, v30, v26;
	v24 =	vpsel p0, v31, v24;
	v31, v32, _ =	vpop @p0 (xrf1);
	(v2sf) =	vpush @p0 v30, $0xF  }
0x90: {  	(v2sf) =	vpush v29, $0x0;
	v27 =	vpsel p0, v31, v27;
	v25 =	vpsel p0, v32, v25;
	_ =	sdelay $0xd  }
0x91: {  	s7 =	spop @p0 (v2sf)  }
0x92: {  	s8 =	spop (v2sf);
	s18 =	smov.u32 @p0 s7  }
.Ltmp1:
0x93: {  	p0 =	slt.f32 s8, s18;
	(pc) =	sbr.rel @p1 .LBB2_6-.Ltmp1, $4  }
0x94: {  	_ = 	snop  }
0x95: {  	v30 =	vlaneseq.u32 @p0  }
0x96: {  	v30 =	vmul.u32 @p0 $0xFFFFFFFF, v30  }
0x97: {  	s6 =	sadd.s32 $0x10, s6  }
0x98: {  	v30 =	vadd.s32 @p0 $0xF, v30  }
0x99: {  	v29 =	vperm.xlane @p0 v29, v30;
	_ =	sdelay $0x1  }
0x9a: {  	v28 =	vperm.xlane @p0 v28, v30;
	vm0 =	vle.f32 @p0 v26, v29  }
0x9b: {  	v26 =	vsel @p0 vm0, v26, v29  }
0x9c: {  	v28 =	vsel @p0 vm0, v24, v28;
	vm0 =	vle.f32 @p0 v27, v26  }
0x9d: {  	v29 =	vsel @p0 vm0, v26, v27;
	v30 =	vsel @p0 vm0, v28, v25  }
0x9e: {  	v28 =	vsel @p0 vm0, v25, v28;
	v26 =	vsel @p0 vm0, v27, v26;
	(xrf1) =	vsort.ascd.msk.f32 @p0 $0xffff, v29, v30  }
0x9f: {  	(xrf1) =	vsort.ascd.msk.f32 @p0 $0xffff, v26, v28;
	_ =	sdelay $0xc  }
0xa0: {  	v26, v27, _ =	vpop @p0 (xrf1)  }
0xa1: {  	v28, v29, _ =	vpop @p0 (xrf1)  }
0xa2: {  	v50 =	vpsel p0, v29, v25;
	_ =	sdelay $0x4  }
0xa3: {  	v51 =	vpsel p0, v27, v24;
	v52 =	vld.idx.msk [tilespmem:v50+s2+$0x0], $0xffff  }
0xa4: {  	s1 =	sshll.u32 s1, $0x8;
	v28 =	vld.idx.msk [tilespmem:v50+s15+$0x0], $0xffff  }
0xa5: {  	v53 =	vor.u32 s1, v1;
	v25 =	vld.idx.msk [tilespmem:v50+s16+$0x0], $0xffff  }
0xa6: {  	v22 =	vbroadcast v22, $0x0;
	v54 =	vor.u32 s1, v3  }
0xa7: {  	v21 =	vbroadcast v21, $0x0;
	v32 =	vor.u32 s1, v4  }
0xa8: {  	v23 =	vbroadcast v23, $0x0;
	v35 =	vor.u32 s1, v5;
	v31 =	vld.idx.msk [tilespmem:v51+s2+$0x0], $0xffff;
	v34 =	vsub.f32 v52, v22  }
0xa9: {  	v37 =	vor.u32 s1, v6;
	v33 =	vld.idx.msk [tilespmem:v51+s15+$0x0], $0xffff;
	v36 =	vsub.f32 v28, v21  }
0xaa: {  	v38 =	vor.u32 s1, v2;
	v56 =	vor.u32 s1, v7;
	v24 =	vld.idx.msk [tilespmem:v51+s16+$0x0], $0xffff;
	v55 =	vsub.f32 v25, v23;
	[tilespmem:v53+s23+$0x0] =	vst.idx.msk $0xffff, v34  }
0xab: {  	v57 =	vand.u32 v19, v38;
	[tilespmem:v54+s23+$0x0] =	vst.idx.msk $0xffff, v36  }
0xac: {  	v58 =	vor.u32 s1, v9;
	(v2sf) =	vpush @p0 v26, $0xF;
	[tilespmem:v32+s23+$0x0] =	vst.idx.msk $0xffff, v55  }
0xad: {  	v59 =	vor.u32 s1, v10;
	[tilespmem:v35+s23+$0x0] =	vst.idx.msk $0xffff, v52  }
0xae: {  	v60 =	vor.u32 s1, v11;
	v22 =	vsub.f32 v31, v22;
	[tilespmem:v37+s23+$0x0] =	vst.idx.msk $0xffff, v28  }
0xaf: {  	v61 =	vor.u32 s1, v12;
	v21 =	vsub.f32 v33, v21;
	[tilespmem:v56+s23+$0x0] =	vst.idx.msk $0xffff, v25  }
0xb0: {  	[tilespmem:v57+s23+$0x0] =	vst.idx.msk $0xffff, v22;
	v22 =	vsub.f32 v24, v23;
	v23 =	vor.u32 s1, v13  }
0xb1: {  	[tilespmem:v58+s23+$0x0] =	vst.idx.msk $0xffff, v21;
	v21 =	vor.u32 s1, v14  }
0xb2: {  	[tilespmem:v59+s23+$0x0] =	vst.idx.msk $0xffff, v22;
	v22 =	vor.u32 s1, v16  }
0xb3: {  	v62 =	vor.u32 s1, v17;
	[tilespmem:v60+s23+$0x0] =	vst.idx.msk $0xffff, v31  }
0xb4: {  	v63 =	vor.u32 s1, v18;
	[tilespmem:v61+s23+$0x0] =	vst.idx.msk $0xffff, v33  }
0xb5: {  	s19 =	sadd.s32 s17, s31;
	s0 =	sadd.s32 $0x1, s0;
	[tilespmem:v23+s23+$0x0] =	vst.idx.msk $0xffff, v24  }
0xb6: {  	p1 =	sne.s32 s0, $0x4B;
	s1 =	smul.u32 $0x1C2, s19;
	[tilespmem:v21+s23+$0x0] =	vst.idx.msk $0xffff, v15  }
.Ltmp2:
0xb7: {  	[tilespmem:v22+s23+$0x0] =	vst.idx.msk $0xffff, v15;
	(pc) =	sbr.rel @p1 .LBB2_3-.Ltmp2, $4  }
0xb8: {  	[tilespmem:v62+s23+$0x0] =	vst.idx.msk $0xffff, v15  }
0xb9: {  	s1 =	sadd.s32 s3, s1;
	[tilespmem:v63+s23+$0x0] =	vst.idx.msk $0xffff, v15  }
0xba: {  	[tilespmem:s21], [sflag:$0x2] =	stream.linear.gather [hbm4b:s1+s2], $0xE10, $0x38;
	[tilespmem:$0x10A00] =	vst v63  }
0xbb: {  	s1 =	spop @p0 (v2sf)  }
0xbc: {  	_ =	swait.ge [sflag:s22], $0xE10  }
0xbd: {  	[sflag:s22] =	ssyncset.done $0x0  }
0xbe: {  	[sflag:s22] =	ssyncadd.s32 $0xFFFFF1F0  }
0xbf: {  	s26 =	sadd.s32 $0x1, s26;
	_ =	swait.ge [sflag:s24], $0xE10  }
0xc0: {  	s0 =	sshll.u32 s28, $0x5;
	p0 =	sne.s32 s26, $0x6;
	[sflag:s24] =	ssyncset.done $0x0  }
.Ltmp3:
0xc1: {  	s0 =	sadd.s32 s4, s0;
	[sflag:s24] =	ssyncadd.s32 $0xFFFFF1F0;
	(pc) =	sbr.rel @p0 .LBB2_2-.Ltmp3, $4  }
0xc2: {  	[hbm4b:s0+s2] =	stream.linear.scatter [tilespmem:s23], [sflag:$0x3], $0x9600, $0x38;
	[tilespmem:$0x10A00] =	vst v63  }
0xc3: {  	_ =	swait.ge [sflag:s14], $0x9600  }
0xc4: {  	[sflag:s14] =	ssyncset.done $0x0  }
0xc5: {  	[sflag:s14] =	ssyncadd.s32 $0xFFFF6A00  }
0xc6: {  	s25 =	sadd.s32 $0x1, s25  }
0xc7: {  	p0 =	sne.s32 s25, s13  }
.Ltmp4:
0xc8: {  	_ = 	snop;
	(pc) =	sbr.rel @p0 .LBB2_1-.Ltmp4, $1  }
0xc9: {  	_ =	sdelay $0x3  }
0xca: {  	_ =	sfence.sel $0x180000  }
0xcb: {  	[bflag:$0x0] =	sbarrier.arrive $0xFFFF  }
0xcc: {  	_ =	strace $0x90000047  }
0xcd: {  	s0 =	stileid.u32;
	[bflag:$0x2] =	sbarrier.arrive $0xFFFF  }
0xce: {  	p0 =	sne.s32 s0, $0x0;
	s0 =	rddreg [dreg:$0x2]  }
0xcf: {  	s0 =	sadd.s32 @!p0 $0x100000, s0  }
0xd0: {  	[sflag:s0] =	ssyncadd.tile.s32 @!p0 $0x1;
	_ =	shalt  }
.Lfunc_end2:
_tile_overlayer_lowered:
.L_overlay_start_2:
0xd1: {  	(tag) =	ssettag $0x2  }
0xd2: {  	s0 =	rddreg [dreg:$0x0];
	s2 =	stileid.u32  }
0xd3: {  	s1 =	rddreg [dreg:$0x1];
	p0 =	sne.s32 s2, $0x0  }
0xd4: {  	s3 =	rddreg [dreg:$0x2];
	[bflag:$0x3] =	sbarrier.arrive $0xFFFF;
	s2 =	simm.s32 @!p0 $0x1C03  }
0xd5: {  	[timem:s3], [sflag:s2] =	dma.local @!p0 [hbm:s0], s1  }
0xd6: {  	s0 =	simm.s32 @!p0 $0x3  }
0xd7: {  	_ =	swait.ge @!p0 [sflag:s0], s1  }
0xd8: {  	s1 =	ssub.s32 @!p0 $0x0, s1;
	[sflag:s0] =	ssyncset.done @!p0 $0x0  }
0xd9: {  	[sflag:s0] =	ssyncadd.s32 @!p0 s1  }
0xda: {  	[bflag:$0x3] =	sbarrier.arrive $0xFFFF  }
0xdb: {  	_ =	shalt  }

</sc_bundles>
